<compile_context>
chip_gen: v7x
topology: tpu7x:2x2x1
jax: 0.10.2.dev20260603
libtpu: 0.0.44.dev20260713+nightly
codegen_flags: <defaults>
</compile_context>

<pallas_src>
import functools

import jax
import jax.numpy as jnp
from jax import lax
from jax.experimental import pallas as pl
from jax.experimental.pallas import tpu as pltpu
from jax.experimental.pallas import tpu_sc as plsc

_VOCAB = 1000000
_EMB = 64
_B = 16384
_L = 50
_PROJ = 128

_RV = 4000
_NV = _VOCAB // 2 // _RV


def _proj_body(t_ref, wp_ref, bp_ref, o_ref):
    o_ref[...] = jnp.maximum(
        jnp.dot(t_ref[...], wp_ref[0], preferred_element_type=jnp.float32)
        + bp_ref[...], 0.0)


def _project_table(table2, wstack, bp_s):
    return pl.pallas_call(
        _proj_body,
        grid=(_NV, 2),
        in_specs=[
            pl.BlockSpec((_RV, 2 * _EMB), lambda i, par: (i, 0)),
            pl.BlockSpec((1, 2 * _EMB, _PROJ), lambda i, par: (par, 0, 0)),
            pl.BlockSpec((1, _PROJ), lambda i, par: (0, 0)),
        ],
        out_specs=pl.BlockSpec((_RV, _PROJ), lambda i, par: (par * _NV + i, 0)),
        out_shape=jax.ShapeDtypeStruct((_VOCAB, _PROJ), jnp.float32),
    )(table2, wstack, bp_s)


_NC = 2
_NS = 16
_NW = _NC * _NS
_NPOOL = 2 * _B
_POOL_PER_W = _NPOOL // _NW
_CHP = 8
_SLOT = 56
_NCHUNK = _POOL_PER_W // _CHP
_FLUSH = 8


def _sc_pool(idx2, ptab):
    mesh = plsc.VectorSubcoreMesh(core_axis_name="c", subcore_axis_name="s")

    @functools.partial(
        pl.kernel,
        mesh=mesh,
        out_type=jax.ShapeDtypeStruct((_NPOOL, _PROJ), jnp.float32),
        scratch_types=[
            pltpu.VMEM((_CHP, _SLOT), jnp.int32),
            pltpu.VMEM((_CHP, _SLOT), jnp.int32),
            pltpu.VMEM((_CHP * _SLOT, _PROJ), jnp.float32),
            pltpu.VMEM((_CHP * _SLOT, _PROJ), jnp.float32),
            pltpu.VMEM((_FLUSH * _CHP, _PROJ), jnp.float32),
            pltpu.SemaphoreType.DMA,
            pltpu.SemaphoreType.DMA,
            pltpu.SemaphoreType.DMA,
            pltpu.SemaphoreType.DMA,
        ],
    )
    def pool_kernel(idx_hbm, ptab_hbm, out_hbm, idx_v0, idx_v1,
                    rows_v0, rows_v1, out_v, sg0, sg1, si0, si1):
        idx_v = (idx_v0, idx_v1)
        rows_v = (rows_v0, rows_v1)
        sg = (sg0, sg1)
        si = (si0, si1)
        wid = lax.axis_index("s") * _NC + lax.axis_index("c")
        row_base = wid * _POOL_PER_W

        def idx_copy(c, bu, sem):
            return pltpu.make_async_copy(
                idx_hbm.at[pl.ds(row_base + c * _CHP, _CHP), :],
                idx_v[bu], sem)

        def gather(p, bu, sem):
            return pltpu.make_async_copy(
                ptab_hbm.at[idx_v[bu].at[p].at[pl.ds(0, _L)]],
                rows_v[bu].at[pl.ds(p * _SLOT, _L)], sem)

        def fire_gathers(bu):
            for p in range(_CHP):
                gather(p, bu, sg[bu]).start()

        def wait_gathers(bu):
            for p in range(_CHP):
                gather(p, bu, sg[bu]).wait()

        def sum_chunk(bu, orow0):
            rows_ref = rows_v[bu]

            def pooled(p, carry2):
                def tok(t5, accs):
                    r0 = p * _SLOT + 5 * t5
                    for d in range(5):
                        accs = tuple(
                            accs[c] + rows_ref[r0 + d, pl.ds(c * 16, 16)]
                            for c in range(8))
                    return accs

                accs = lax.fori_loop(
                    0, _L // 5, tok,
                    tuple(jnp.zeros((16,), jnp.float32) for _ in range(8)))
                for c in range(8):
                    out_v[orow0 + p, pl.ds(c * 16, 16)] = accs[c]
                return carry2

            lax.fori_loop(0, _CHP, pooled, 0)

        def phase(bu, ci):
            nxt = 1 - bu

            @pl.when(ci + 1 < _NCHUNK)
            def _prefetch():
                idx_copy(ci + 1, nxt, si[nxt]).wait()
                fire_gathers(nxt)

            wait_gathers(bu)

            @pl.when(ci + 2 < _NCHUNK)
            def _next_idx():
                idx_copy(ci + 2, bu, si[bu]).start()

            sum_chunk(bu, (ci % _FLUSH) * _CHP)

            @pl.when((ci + 1) % _FLUSH == 0)
            def _flush():
                fidx = ci // _FLUSH
                pltpu.sync_copy(
                    out_v,
                    out_hbm.at[pl.ds(row_base + fidx * _FLUSH * _CHP,
                                     _FLUSH * _CHP)])

        pltpu.sync_copy(idx_hbm.at[pl.ds(row_base, _CHP), :], idx_v[0])
        fire_gathers(0)
        idx_copy(1, 1, si[1]).start()

        def pair(k, carry):
            phase(0, 2 * k)
            phase(1, 2 * k + 1)
            return carry

        lax.fori_loop(0, _NCHUNK // 2, pair, 0)

    return pool_kernel(idx2, ptab)


_RM = 1024
_NM = _B // _RM


def _mlp_body(pa_ref, pb_ref, w1a_ref, w1b_ref, b1_ref, w2_ref, b2_ref,
              o_ref):
    h = jnp.maximum(
        jnp.dot(pa_ref[...], w1a_ref[...], preferred_element_type=jnp.float32)
        + jnp.dot(pb_ref[...], w1b_ref[...], preferred_element_type=jnp.float32)
        + b1_ref[...], 0.0)
    o_ref[...] = jnp.sum(h * w2_ref[...], axis=1) + b2_ref[0, 0]


def _mlp(pooled, w1a, w1b, b1_2, w2r, b2_2):
    return pl.pallas_call(
        _mlp_body,
        grid=(_NM,),
        in_specs=[
            pl.BlockSpec((_RM, _PROJ), lambda i: (i, 0)),
            pl.BlockSpec((_RM, _PROJ), lambda i: (_NM + i, 0)),
            pl.BlockSpec((_PROJ, _PROJ), lambda i: (0, 0)),
            pl.BlockSpec((_PROJ, _PROJ), lambda i: (0, 0)),
            pl.BlockSpec((1, _PROJ), lambda i: (0, 0)),
            pl.BlockSpec((1, _PROJ), lambda i: (0, 0)),
            pl.BlockSpec(memory_space=pltpu.SMEM),
        ],
        out_specs=pl.BlockSpec((_RM,), lambda i: (i,)),
        out_shape=jax.ShapeDtypeStruct((_B,), jnp.float32),
    )(pooled, pooled, w1a, w1b, b1_2, w2r, b2_2)


def kernel(a, b, table, W_proj, b_proj, W1, b1, W2, b2):
    inv_l = jnp.float32(1.0 / _L)
    wp_s = W_proj * inv_l
    zeros = jnp.zeros((_EMB, _PROJ), jnp.float32)
    wstack = jnp.stack([jnp.concatenate([wp_s, zeros], axis=0),
                        jnp.concatenate([zeros, wp_s], axis=0)])
    ptab = _project_table(table.reshape(_VOCAB // 2, 2 * _EMB), wstack,
                          (b_proj * inv_l).reshape(1, _PROJ))
    v = jnp.concatenate([a, b], axis=0)
    vperm = (v & 1) * jnp.int32(_VOCAB // 2) + (v >> 1)
    idx2 = jnp.pad(vperm, ((0, 0), (0, _SLOT - _L)))
    pooled = _sc_pool(idx2, ptab)
    return _mlp(pooled, W1[:_PROJ], W1[_PROJ:], b1.reshape(1, _PROJ),
                W2.reshape(1, _PROJ), b2.reshape(1, 1))

# --- scband reference (transcript-rebuilt; emitter-appended) ---
"""Pipeline reference for scband-two-tower-model-22892175688143 (READ-ONLY COPY).

The authoritative reference and input builder live on the scoring server;
editing this copy changes nothing except your own understanding.
"""

import jax, jax.numpy as jnp
import numpy as np

VOCAB = 1000000
EMB_DIM = 64
B = 16384
L = 50
PROJ = 128

def setup_inputs(seed: int = 0) -> dict:
    key = jax.random.key(seed)
    ks = jax.random.split(key, 9)
    a = jax.random.randint(ks[0], (B, L), 0, VOCAB, dtype=jnp.int64) if jax.config.jax_enable_x64 else jax.random.randint(ks[0], (B, L), 0, VOCAB, dtype=jnp.int32)
    b = jax.random.randint(ks[1], (B, L), 0, VOCAB, dtype=jnp.int32)
    a = a.astype(jnp.int32)
    table = (jax.random.normal(ks[2], (VOCAB, EMB_DIM), dtype=jnp.float32) * 0.02).at[0].set(0.0)  # padding_idx=0 row zeroed
    W_proj = jax.random.normal(ks[3], (EMB_DIM, PROJ), dtype=jnp.float32) * 0.05
    b_proj = jnp.zeros((PROJ,), dtype=jnp.float32)
    W1 = jax.random.normal(ks[4], (2 * PROJ, PROJ), dtype=jnp.float32) * 0.05
    b1 = jnp.zeros((PROJ,), dtype=jnp.float32)
    W2 = jax.random.normal(ks[5], (PROJ, 1), dtype=jnp.float32) * 0.05
    b2 = jnp.zeros((1,), dtype=jnp.float32)
    return {"a": a, "b": b, "table": table, "W_proj": W_proj, "b_proj": b_proj,
            "W1": W1, "b1": b1, "W2": W2, "b2": b2}


def reference(a, b, table, W_proj, b_proj, W1, b1, W2, b2):
    def _make_repre(idx):
        emb = jnp.take(table, idx, axis=0)              # [B, L, EMB_DIM] gather
        p = jax.nn.relu(emb @ W_proj + b_proj)          # emb_projection=True path
        return jnp.mean(p, axis=1)                      # [B, PROJ]
    repre_a = _make_repre(a)
    repre_b = _make_repre(b)
    repre = jnp.concatenate((repre_a, repre_b), axis=1)  # [B, 256]
    repre = jax.nn.relu(repre @ W1 + b1)                 # final_proj_1
    repre = (repre @ W2 + b2).squeeze(1)                 # final_proj_2, [B]
    return repre

if __name__ == "__main__":
    import jax
    _d = setup_inputs()
    print(jax.jit(kernel)(*tuple(_d.values())))

</pallas_src>

<mosaic_0001>
#map = affine_map<(d0, d1) -> (0, 0)>
module attributes {stable_mosaic.version = 14 : i64} {
  func.func @pool_kernel(%arg0: i32, %arg1: i32, %arg2: memref<32768x56xi32, #tpu.memory_space<hbm>>, %arg3: memref<1000000x128xf32, #tpu.memory_space<hbm>>, %arg4: memref<32768x128xf32, #tpu.memory_space<hbm>>, %arg5: memref<8x56xi32, #tpu.memory_space<vmem>>, %arg6: memref<8x56xi32, #tpu.memory_space<vmem>>, %arg7: memref<448x128xf32, #tpu.memory_space<vmem>>, %arg8: memref<448x128xf32, #tpu.memory_space<vmem>>, %arg9: memref<64x128xf32, #tpu.memory_space<vmem>>, %arg10: memref<!tpu.dma_semaphore, #tpu.memory_space<semaphore_mem>>, %arg11: memref<!tpu.dma_semaphore, #tpu.memory_space<semaphore_mem>>, %arg12: memref<!tpu.dma_semaphore, #tpu.memory_space<semaphore_mem>>, %arg13: memref<!tpu.dma_semaphore, #tpu.memory_space<semaphore_mem>>) attributes {dimension_semantics = [#tpu.dimension_semantics<core_parallel>, #tpu.dimension_semantics<subcore_parallel>], iteration_bounds = array<i64: 2, 16>, scalar_prefetch = 0 : i64, scratch_operands = 9 : i64, tpu.core_type = #tpu.core_type<sc_vector_subcore>, window_params = [{transform_indices = #map}, {transform_indices = #map}, {transform_indices = #map}]} {
    %mul3A = arith.constant 2 : i32
    %mul3A_0 = arith.muli %arg1, %mul3A : i32
    %add3A = arith.addi %mul3A_0, %arg0 : i32
    %mul3A_1 = arith.constant 1024 : i32
    %mul3A_2 = arith.muli %add3A, %mul3A_1 : i32
    "tpu.region"() ({
      %run_scoped3A = tpu.sem_alloc : memref<!tpu.dma_semaphore, #tpu.memory_space<semaphore_mem>>
      %dma_start3A_109 = arith.constant 0 : i32
      %dma_start3A_110 = tpu.memref_slice %arg2[%mul3A_2, %dma_start3A_109] : memref<32768x56xi32, #tpu.memory_space<hbm>> -> memref<8x56xi32, #tpu.memory_space<hbm>>
      %dma_start3A_111 = arith.constant 0 : i32
      %dma_start3A_112 = tpu.memref_slice %arg2[%mul3A_2, %dma_start3A_111] : memref<32768x56xi32, #tpu.memory_space<hbm>> -> memref<8x56xi32, #tpu.memory_space<hbm>>
      tpu.enqueue_dma source(%dma_start3A_112 : memref<8x56xi32, #tpu.memory_space<hbm>>) target(%arg5 : memref<8x56xi32, #tpu.memory_space<vmem>>) target_semaphore(%run_scoped3A : memref<!tpu.dma_semaphore, #tpu.memory_space<semaphore_mem>>)
      %dma_wait3A = arith.constant 0 : i32
      %dma_wait3A_113 = tpu.memref_slice %arg2[%mul3A_2, %dma_wait3A] : memref<32768x56xi32, #tpu.memory_space<hbm>> -> memref<8x56xi32, #tpu.memory_space<hbm>>
      %dma_wait3A_114 = arith.constant 0 : i32
      %dma_wait3A_115 = tpu.memref_slice %arg2[%mul3A_2, %dma_wait3A_114] : memref<32768x56xi32, #tpu.memory_space<hbm>> -> memref<8x56xi32, #tpu.memory_space<hbm>>
      tpu.wait_dma2 semaphore(%run_scoped3A : memref<!tpu.dma_semaphore, #tpu.memory_space<semaphore_mem>>) src(%dma_wait3A_115 : memref<8x56xi32, #tpu.memory_space<hbm>>) dst(%arg5 : memref<8x56xi32, #tpu.memory_space<vmem>>)
      tpu.yield
    }) : () -> ()
    %dma_start3A = arith.constant 0 : i32
    %dma_start3A_3 = arith.constant 0 : i32
    %dma_start3A_4 = arith.constant 0 : i32
    %dma_start3A_5 = tpu.memref_slice %arg7[%dma_start3A_3, %dma_start3A_4] : memref<448x128xf32, #tpu.memory_space<vmem>> -> memref<50x128xf32, #tpu.memory_space<vmem>>
    %dma_start3A_6 = arith.constant 0 : i32
    %dma_start3A_7 = tpu.memref_slice %arg5[%dma_start3A, %dma_start3A_6] : memref<8x56xi32, #tpu.memory_space<vmem>> -> memref<1x56xi32, #tpu.memory_space<vmem>>
    %dma_start3A_8 = tpu.memref_squeeze %dma_start3A_7 : memref<1x56xi32, #tpu.memory_space<vmem>> -> memref<56xi32, #tpu.memory_space<vmem>>
    %dma_start3A_9 = arith.constant 0 : i32
    %dma_start3A_10 = tpu.memref_slice %dma_start3A_8[%dma_start3A_9] : memref<56xi32, #tpu.memory_space<vmem>> -> memref<50xi32, #tpu.memory_space<vmem>>
    %dma_start3A_11 = arith.constant 0 : i32
    %dma_start3A_12 = arith.constant 0 : i32
    %dma_start3A_13 = tpu.memref_slice %arg3[%dma_start3A_11, %dma_start3A_12] : memref<1000000x128xf32, #tpu.memory_space<hbm>> -> memref<1000000x128xf32, #tpu.memory_space<hbm>>
    tpu.enqueue_indirect_dma source(%dma_start3A_13 : memref<1000000x128xf32, #tpu.memory_space<hbm>>) target(%dma_start3A_5 : memref<50x128xf32, #tpu.memory_space<vmem>>) offsets(%dma_start3A_10 : memref<50xi32, #tpu.memory_space<vmem>>) semaphore(%arg10 : memref<!tpu.dma_semaphore, #tpu.memory_space<semaphore_mem>>)
    %dma_start3A_14 = arith.constant 1 : i32
    %dma_start3A_15 = arith.constant 56 : i32
    %dma_start3A_16 = arith.constant 0 : i32
    %dma_start3A_17 = tpu.memref_slice %arg7[%dma_start3A_15, %dma_start3A_16] : memref<448x128xf32, #tpu.memory_space<vmem>> -> memref<50x128xf32, #tpu.memory_space<vmem>>
    %dma_start3A_18 = arith.constant 0 : i32
    %dma_start3A_19 = tpu.memref_slice %arg5[%dma_start3A_14, %dma_start3A_18] : memref<8x56xi32, #tpu.memory_space<vmem>> -> memref<1x56xi32, #tpu.memory_space<vmem>>
    %dma_start3A_20 = tpu.memref_squeeze %dma_start3A_19 : memref<1x56xi32, #tpu.memory_space<vmem>> -> memref<56xi32, #tpu.memory_space<vmem>>
    %dma_start3A_21 = arith.constant 0 : i32
    %dma_start3A_22 = tpu.memref_slice %dma_start3A_20[%dma_start3A_21] : memref<56xi32, #tpu.memory_space<vmem>> -> memref<50xi32, #tpu.memory_space<vmem>>
    %dma_start3A_23 = arith.constant 0 : i32
    %dma_start3A_24 = arith.constant 0 : i32
    %dma_start3A_25 = tpu.memref_slice %arg3[%dma_start3A_23, %dma_start3A_24] : memref<1000000x128xf32, #tpu.memory_space<hbm>> -> memref<1000000x128xf32, #tpu.memory_space<hbm>>
    tpu.enqueue_indirect_dma source(%dma_start3A_25 : memref<1000000x128xf32, #tpu.memory_space<hbm>>) target(%dma_start3A_17 : memref<50x128xf32, #tpu.memory_space<vmem>>) offsets(%dma_start3A_22 : memref<50xi32, #tpu.memory_space<vmem>>) semaphore(%arg10 : memref<!tpu.dma_semaphore, #tpu.memory_space<semaphore_mem>>)
    %dma_start3A_26 = arith.constant 2 : i32
    %dma_start3A_27 = arith.constant 112 : i32
    %dma_start3A_28 = arith.constant 0 : i32
    %dma_start3A_29 = tpu.memref_slice %arg7[%dma_start3A_27, %dma_start3A_28] : memref<448x128xf32, #tpu.memory_space<vmem>> -> memref<50x128xf32, #tpu.memory_space<vmem>>
    %dma_start3A_30 = arith.constant 0 : i32
    %dma_start3A_31 = tpu.memref_slice %arg5[%dma_start3A_26, %dma_start3A_30] : memref<8x56xi32, #tpu.memory_space<vmem>> -> memref<1x56xi32, #tpu.memory_space<vmem>>
    %dma_start3A_32 = tpu.memref_squeeze %dma_start3A_31 : memref<1x56xi32, #tpu.memory_space<vmem>> -> memref<56xi32, #tpu.memory_space<vmem>>
    %dma_start3A_33 = arith.constant 0 : i32
    %dma_start3A_34 = tpu.memref_slice %dma_start3A_32[%dma_start3A_33] : memref<56xi32, #tpu.memory_space<vmem>> -> memref<50xi32, #tpu.memory_space<vmem>>
    %dma_start3A_35 = arith.constant 0 : i32
    %dma_start3A_36 = arith.constant 0 : i32
    %dma_start3A_37 = tpu.memref_slice %arg3[%dma_start3A_35, %dma_start3A_36] : memref<1000000x128xf32, #tpu.memory_space<hbm>> -> memref<1000000x128xf32, #tpu.memory_space<hbm>>
    tpu.enqueue_indirect_dma source(%dma_start3A_37 : memref<1000000x128xf32, #tpu.memory_space<hbm>>) target(%dma_start3A_29 : memref<50x128xf32, #tpu.memory_space<vmem>>) offsets(%dma_start3A_34 : memref<50xi32, #tpu.memory_space<vmem>>) semaphore(%arg10 : memref<!tpu.dma_semaphore, #tpu.memory_space<semaphore_mem>>)
    %dma_start3A_38 = arith.constant 3 : i32
    %dma_start3A_39 = arith.constant 168 : i32
    %dma_start3A_40 = arith.constant 0 : i32
    %dma_start3A_41 = tpu.memref_slice %arg7[%dma_start3A_39, %dma_start3A_40] : memref<448x128xf32, #tpu.memory_space<vmem>> -> memref<50x128xf32, #tpu.memory_space<vmem>>
    %dma_start3A_42 = arith.constant 0 : i32
    %dma_start3A_43 = tpu.memref_slice %arg5[%dma_start3A_38, %dma_start3A_42] : memref<8x56xi32, #tpu.memory_space<vmem>> -> memref<1x56xi32, #tpu.memory_space<vmem>>
    %dma_start3A_44 = tpu.memref_squeeze %dma_start3A_43 : memref<1x56xi32, #tpu.memory_space<vmem>> -> memref<56xi32, #tpu.memory_space<vmem>>
    %dma_start3A_45 = arith.constant 0 : i32
    %dma_start3A_46 = tpu.memref_slice %dma_start3A_44[%dma_start3A_45] : memref<56xi32, #tpu.memory_space<vmem>> -> memref<50xi32, #tpu.memory_space<vmem>>
    %dma_start3A_47 = arith.constant 0 : i32
    %dma_start3A_48 = arith.constant 0 : i32
    %dma_start3A_49 = tpu.memref_slice %arg3[%dma_start3A_47, %dma_start3A_48] : memref<1000000x128xf32, #tpu.memory_space<hbm>> -> memref<1000000x128xf32, #tpu.memory_space<hbm>>
    tpu.enqueue_indirect_dma source(%dma_start3A_49 : memref<1000000x128xf32, #tpu.memory_space<hbm>>) target(%dma_start3A_41 : memref<50x128xf32, #tpu.memory_space<vmem>>) offsets(%dma_start3A_46 : memref<50xi32, #tpu.memory_space<vmem>>) semaphore(%arg10 : memref<!tpu.dma_semaphore, #tpu.memory_space<semaphore_mem>>)
    %dma_start3A_50 = arith.constant 4 : i32
    %dma_start3A_51 = arith.constant 224 : i32
    %dma_start3A_52 = arith.constant 0 : i32
    %dma_start3A_53 = tpu.memref_slice %arg7[%dma_start3A_51, %dma_start3A_52] : memref<448x128xf32, #tpu.memory_space<vmem>> -> memref<50x128xf32, #tpu.memory_space<vmem>>
    %dma_start3A_54 = arith.constant 0 : i32
    %dma_start3A_55 = tpu.memref_slice %arg5[%dma_start3A_50, %dma_start3A_54] : memref<8x56xi32, #tpu.memory_space<vmem>> -> memref<1x56xi32, #tpu.memory_space<vmem>>
    %dma_start3A_56 = tpu.memref_squeeze %dma_start3A_55 : memref<1x56xi32, #tpu.memory_space<vmem>> -> memref<56xi32, #tpu.memory_space<vmem>>
    %dma_start3A_57 = arith.constant 0 : i32
    %dma_start3A_58 = tpu.memref_slice %dma_start3A_56[%dma_start3A_57] : memref<56xi32, #tpu.memory_space<vmem>> -> memref<50xi32, #tpu.memory_space<vmem>>
    %dma_start3A_59 = arith.constant 0 : i32
    %dma_start3A_60 = arith.constant 0 : i32
    %dma_start3A_61 = tpu.memref_slice %arg3[%dma_start3A_59, %dma_start3A_60] : memref<1000000x128xf32, #tpu.memory_space<hbm>> -> memref<1000000x128xf32, #tpu.memory_space<hbm>>
    tpu.enqueue_indirect_dma source(%dma_start3A_61 : memref<1000000x128xf32, #tpu.memory_space<hbm>>) target(%dma_start3A_53 : memref<50x128xf32, #tpu.memory_space<vmem>>) offsets(%dma_start3A_58 : memref<50xi32, #tpu.memory_space<vmem>>) semaphore(%arg10 : memref<!tpu.dma_semaphore, #tpu.memory_space<semaphore_mem>>)
    %dma_start3A_62 = arith.constant 5 : i32
    %dma_start3A_63 = arith.constant 280 : i32
    %dma_start3A_64 = arith.constant 0 : i32
    %dma_start3A_65 = tpu.memref_slice %arg7[%dma_start3A_63, %dma_start3A_64] : memref<448x128xf32, #tpu.memory_space<vmem>> -> memref<50x128xf32, #tpu.memory_space<vmem>>
    %dma_start3A_66 = arith.constant 0 : i32
    %dma_start3A_67 = tpu.memref_slice %arg5[%dma_start3A_62, %dma_start3A_66] : memref<8x56xi32, #tpu.memory_space<vmem>> -> memref<1x56xi32, #tpu.memory_space<vmem>>
    %dma_start3A_68 = tpu.memref_squeeze %dma_start3A_67 : memref<1x56xi32, #tpu.memory_space<vmem>> -> memref<56xi32, #tpu.memory_space<vmem>>
    %dma_start3A_69 = arith.constant 0 : i32
    %dma_start3A_70 = tpu.memref_slice %dma_start3A_68[%dma_start3A_69] : memref<56xi32, #tpu.memory_space<vmem>> -> memref<50xi32, #tpu.memory_space<vmem>>
    %dma_start3A_71 = arith.constant 0 : i32
    %dma_start3A_72 = arith.constant 0 : i32
    %dma_start3A_73 = tpu.memref_slice %arg3[%dma_start3A_71, %dma_start3A_72] : memref<1000000x128xf32, #tpu.memory_space<hbm>> -> memref<1000000x128xf32, #tpu.memory_space<hbm>>
    tpu.enqueue_indirect_dma source(%dma_start3A_73 : memref<1000000x128xf32, #tpu.memory_space<hbm>>) target(%dma_start3A_65 : memref<50x128xf32, #tpu.memory_space<vmem>>) offsets(%dma_start3A_70 : memref<50xi32, #tpu.memory_space<vmem>>) semaphore(%arg10 : memref<!tpu.dma_semaphore, #tpu.memory_space<semaphore_mem>>)
    %dma_start3A_74 = arith.constant 6 : i32
    %dma_start3A_75 = arith.constant 336 : i32
    %dma_start3A_76 = arith.constant 0 : i32
    %dma_start3A_77 = tpu.memref_slice %arg7[%dma_start3A_75, %dma_start3A_76] : memref<448x128xf32, #tpu.memory_space<vmem>> -> memref<50x128xf32, #tpu.memory_space<vmem>>
    %dma_start3A_78 = arith.constant 0 : i32
    %dma_start3A_79 = tpu.memref_slice %arg5[%dma_start3A_74, %dma_start3A_78] : memref<8x56xi32, #tpu.memory_space<vmem>> -> memref<1x56xi32, #tpu.memory_space<vmem>>
    %dma_start3A_80 = tpu.memref_squeeze %dma_start3A_79 : memref<1x56xi32, #tpu.memory_space<vmem>> -> memref<56xi32, #tpu.memory_space<vmem>>
    %dma_start3A_81 = arith.constant 0 : i32
    %dma_start3A_82 = tpu.memref_slice %dma_start3A_80[%dma_start3A_81] : memref<56xi32, #tpu.memory_space<vmem>> -> memref<50xi32, #tpu.memory_space<vmem>>
    %dma_start3A_83 = arith.constant 0 : i32
    %dma_start3A_84 = arith.constant 0 : i32
    %dma_start3A_85 = tpu.memref_slice %arg3[%dma_start3A_83, %dma_start3A_84] : memref<1000000x128xf32, #tpu.memory_space<hbm>> -> memref<1000000x128xf32, #tpu.memory_space<hbm>>
    tpu.enqueue_indirect_dma source(%dma_start3A_85 : memref<1000000x128xf32, #tpu.memory_space<hbm>>) target(%dma_start3A_77 : memref<50x128xf32, #tpu.memory_space<vmem>>) offsets(%dma_start3A_82 : memref<50xi32, #tpu.memory_space<vmem>>) semaphore(%arg10 : memref<!tpu.dma_semaphore, #tpu.memory_space<semaphore_mem>>)
    %dma_start3A_86 = arith.constant 7 : i32
    %dma_start3A_87 = arith.constant 392 : i32
    %dma_start3A_88 = arith.constant 0 : i32
    %dma_start3A_89 = tpu.memref_slice %arg7[%dma_start3A_87, %dma_start3A_88] : memref<448x128xf32, #tpu.memory_space<vmem>> -> memref<50x128xf32, #tpu.memory_space<vmem>>
    %dma_start3A_90 = arith.constant 0 : i32
    %dma_start3A_91 = tpu.memref_slice %arg5[%dma_start3A_86, %dma_start3A_90] : memref<8x56xi32, #tpu.memory_space<vmem>> -> memref<1x56xi32, #tpu.memory_space<vmem>>
    %dma_start3A_92 = tpu.memref_squeeze %dma_start3A_91 : memref<1x56xi32, #tpu.memory_space<vmem>> -> memref<56xi32, #tpu.memory_space<vmem>>
    %dma_start3A_93 = arith.constant 0 : i32
    %dma_start3A_94 = tpu.memref_slice %dma_start3A_92[%dma_start3A_93] : memref<56xi32, #tpu.memory_space<vmem>> -> memref<50xi32, #tpu.memory_space<vmem>>
    %dma_start3A_95 = arith.constant 0 : i32
    %dma_start3A_96 = arith.constant 0 : i32
    %dma_start3A_97 = tpu.memref_slice %arg3[%dma_start3A_95, %dma_start3A_96] : memref<1000000x128xf32, #tpu.memory_space<hbm>> -> memref<1000000x128xf32, #tpu.memory_space<hbm>>
    tpu.enqueue_indirect_dma source(%dma_start3A_97 : memref<1000000x128xf32, #tpu.memory_space<hbm>>) target(%dma_start3A_89 : memref<50x128xf32, #tpu.memory_space<vmem>>) offsets(%dma_start3A_94 : memref<50xi32, #tpu.memory_space<vmem>>) semaphore(%arg10 : memref<!tpu.dma_semaphore, #tpu.memory_space<semaphore_mem>>)
    %add3A_98 = arith.constant 8 : i32
    %add3A_99 = arith.addi %mul3A_2, %add3A_98 : i32
    %dma_start3A_100 = arith.constant 0 : i32
    %dma_start3A_101 = tpu.memref_slice %arg2[%add3A_99, %dma_start3A_100] : memref<32768x56xi32, #tpu.memory_space<hbm>> -> memref<8x56xi32, #tpu.memory_space<hbm>>
    %dma_start3A_102 = arith.constant 0 : i32
    %dma_start3A_103 = tpu.memref_slice %arg2[%add3A_99, %dma_start3A_102] : memref<32768x56xi32, #tpu.memory_space<hbm>> -> memref<8x56xi32, #tpu.memory_space<hbm>>
    tpu.enqueue_dma source(%dma_start3A_103 : memref<8x56xi32, #tpu.memory_space<hbm>>) target(%arg6 : memref<8x56xi32, #tpu.memory_space<vmem>>) target_semaphore(%arg13 : memref<!tpu.dma_semaphore, #tpu.memory_space<semaphore_mem>>)
    %scan3A = arith.constant 0 : i32
    %scan3A_104 = arith.constant 0 : i32
    %scan3A_105 = arith.constant 64 : i32
    %scan3A_106 = arith.addi %scan3A_104, %scan3A_105 : i32
    %scan3A_107 = arith.constant 1 : i32
    scf.for %scan3A_109 = %scan3A_104 to %scan3A_106 step %scan3A_107  : i32 {
      %mul3A_110 = arith.constant 2 : i32
      %mul3A_111 = arith.muli %mul3A_110, %scan3A_109 : i32
      %add3A_112 = arith.constant 1 : i32
      %add3A_113 = arith.addi %mul3A_111, %add3A_112 : i32
      %lt3A = arith.constant 128 : i32
      %lt3A_114 = arith.cmpi slt, %add3A_113, %lt3A : i32
      %convert_element_type3A = arith.extui %lt3A_114 : i1 to i32
      %cond3A = arith.constant 0 : i32
      %cond3A_115 = arith.cmpi ne, %convert_element_type3A, %cond3A : i32
      scf.if %cond3A_115 {
        %add3A_420 = arith.constant 1 : i32
        %add3A_421 = arith.addi %mul3A_111, %add3A_420 : i32
        %mul3A_422 = arith.constant 8 : i32
        %mul3A_423 = arith.muli %add3A_421, %mul3A_422 : i32
        %add3A_424 = arith.addi %mul3A_2, %mul3A_423 : i32
        %dma_wait3A_425 = arith.constant 0 : i32
        %dma_wait3A_426 = tpu.memref_slice %arg2[%add3A_424, %dma_wait3A_425] : memref<32768x56xi32, #tpu.memory_space<hbm>> -> memref<8x56xi32, #tpu.memory_space<hbm>>
        %dma_wait3A_427 = arith.constant 0 : i32
        %dma_wait3A_428 = tpu.memref_slice %arg2[%add3A_424, %dma_wait3A_427] : memref<32768x56xi32, #tpu.memory_space<hbm>> -> memref<8x56xi32, #tpu.memory_space<hbm>>
        tpu.wait_dma2 semaphore(%arg13 : memref<!tpu.dma_semaphore, #tpu.memory_space<semaphore_mem>>) src(%dma_wait3A_428 : memref<8x56xi32, #tpu.memory_space<hbm>>) dst(%arg6 : memref<8x56xi32, #tpu.memory_space<vmem>>)
        %dma_start3A_429 = arith.constant 0 : i32
        %dma_start3A_430 = arith.constant 0 : i32
        %dma_start3A_431 = arith.constant 0 : i32
        %dma_start3A_432 = tpu.memref_slice %arg8[%dma_start3A_430, %dma_start3A_431] : memref<448x128xf32, #tpu.memory_space<vmem>> -> memref<50x128xf32, #tpu.memory_space<vmem>>
        %dma_start3A_433 = arith.constant 0 : i32
        %dma_start3A_434 = tpu.memref_slice %arg6[%dma_start3A_429, %dma_start3A_433] : memref<8x56xi32, #tpu.memory_space<vmem>> -> memref<1x56xi32, #tpu.memory_space<vmem>>
        %dma_start3A_435 = tpu.memref_squeeze %dma_start3A_434 : memref<1x56xi32, #tpu.memory_space<vmem>> -> memref<56xi32, #tpu.memory_space<vmem>>
        %dma_start3A_436 = arith.constant 0 : i32
        %dma_start3A_437 = tpu.memref_slice %dma_start3A_435[%dma_start3A_436] : memref<56xi32, #tpu.memory_space<vmem>> -> memref<50xi32, #tpu.memory_space<vmem>>
        %dma_start3A_438 = arith.constant 0 : i32
        %dma_start3A_439 = arith.constant 0 : i32
        %dma_start3A_440 = tpu.memref_slice %arg3[%dma_start3A_438, %dma_start3A_439] : memref<1000000x128xf32, #tpu.memory_space<hbm>> -> memref<1000000x128xf32, #tpu.memory_space<hbm>>
        tpu.enqueue_indirect_dma source(%dma_start3A_440 : memref<1000000x128xf32, #tpu.memory_space<hbm>>) target(%dma_start3A_432 : memref<50x128xf32, #tpu.memory_space<vmem>>) offsets(%dma_start3A_437 : memref<50xi32, #tpu.memory_space<vmem>>) semaphore(%arg11 : memref<!tpu.dma_semaphore, #tpu.memory_space<semaphore_mem>>)
        %dma_start3A_441 = arith.constant 1 : i32
        %dma_start3A_442 = arith.constant 56 : i32
        %dma_start3A_443 = arith.constant 0 : i32
        %dma_start3A_444 = tpu.memref_slice %arg8[%dma_start3A_442, %dma_start3A_443] : memref<448x128xf32, #tpu.memory_space<vmem>> -> memref<50x128xf32, #tpu.memory_space<vmem>>
        %dma_start3A_445 = arith.constant 0 : i32
        %dma_start3A_446 = tpu.memref_slice %arg6[%dma_start3A_441, %dma_start3A_445] : memref<8x56xi32, #tpu.memory_space<vmem>> -> memref<1x56xi32, #tpu.memory_space<vmem>>
        %dma_start3A_447 = tpu.memref_squeeze %dma_start3A_446 : memref<1x56xi32, #tpu.memory_space<vmem>> -> memref<56xi32, #tpu.memory_space<vmem>>
        %dma_start3A_448 = arith.constant 0 : i32
        %dma_start3A_449 = tpu.memref_slice %dma_start3A_447[%dma_start3A_448] : memref<56xi32, #tpu.memory_space<vmem>> -> memref<50xi32, #tpu.memory_space<vmem>>
        %dma_start3A_450 = arith.constant 0 : i32
        %dma_start3A_451 = arith.constant 0 : i32
        %dma_start3A_452 = tpu.memref_slice %arg3[%dma_start3A_450, %dma_start3A_451] : memref<1000000x128xf32, #tpu.memory_space<hbm>> -> memref<1000000x128xf32, #tpu.memory_space<hbm>>
        tpu.enqueue_indirect_dma source(%dma_start3A_452 : memref<1000000x128xf32, #tpu.memory_space<hbm>>) target(%dma_start3A_444 : memref<50x128xf32, #tpu.memory_space<vmem>>) offsets(%dma_start3A_449 : memref<50xi32, #tpu.memory_space<vmem>>) semaphore(%arg11 : memref<!tpu.dma_semaphore, #tpu.memory_space<semaphore_mem>>)
        %dma_start3A_453 = arith.constant 2 : i32
        %dma_start3A_454 = arith.constant 112 : i32
        %dma_start3A_455 = arith.constant 0 : i32
        %dma_start3A_456 = tpu.memref_slice %arg8[%dma_start3A_454, %dma_start3A_455] : memref<448x128xf32, #tpu.memory_space<vmem>> -> memref<50x128xf32, #tpu.memory_space<vmem>>
        %dma_start3A_457 = arith.constant 0 : i32
        %dma_start3A_458 = tpu.memref_slice %arg6[%dma_start3A_453, %dma_start3A_457] : memref<8x56xi32, #tpu.memory_space<vmem>> -> memref<1x56xi32, #tpu.memory_space<vmem>>
        %dma_start3A_459 = tpu.memref_squeeze %dma_start3A_458 : memref<1x56xi32, #tpu.memory_space<vmem>> -> memref<56xi32, #tpu.memory_space<vmem>>
        %dma_start3A_460 = arith.constant 0 : i32
        %dma_start3A_461 = tpu.memref_slice %dma_start3A_459[%dma_start3A_460] : memref<56xi32, #tpu.memory_space<vmem>> -> memref<50xi32, #tpu.memory_space<vmem>>
        %dma_start3A_462 = arith.constant 0 : i32
        %dma_start3A_463 = arith.constant 0 : i32
        %dma_start3A_464 = tpu.memref_slice %arg3[%dma_start3A_462, %dma_start3A_463] : memref<1000000x128xf32, #tpu.memory_space<hbm>> -> memref<1000000x128xf32, #tpu.memory_space<hbm>>
        tpu.enqueue_indirect_dma source(%dma_start3A_464 : memref<1000000x128xf32, #tpu.memory_space<hbm>>) target(%dma_start3A_456 : memref<50x128xf32, #tpu.memory_space<vmem>>) offsets(%dma_start3A_461 : memref<50xi32, #tpu.memory_space<vmem>>) semaphore(%arg11 : memref<!tpu.dma_semaphore, #tpu.memory_space<semaphore_mem>>)
        %dma_start3A_465 = arith.constant 3 : i32
        %dma_start3A_466 = arith.constant 168 : i32
        %dma_start3A_467 = arith.constant 0 : i32
        %dma_start3A_468 = tpu.memref_slice %arg8[%dma_start3A_466, %dma_start3A_467] : memref<448x128xf32, #tpu.memory_space<vmem>> -> memref<50x128xf32, #tpu.memory_space<vmem>>
        %dma_start3A_469 = arith.constant 0 : i32
        %dma_start3A_470 = tpu.memref_slice %arg6[%dma_start3A_465, %dma_start3A_469] : memref<8x56xi32, #tpu.memory_space<vmem>> -> memref<1x56xi32, #tpu.memory_space<vmem>>
        %dma_start3A_471 = tpu.memref_squeeze %dma_start3A_470 : memref<1x56xi32, #tpu.memory_space<vmem>> -> memref<56xi32, #tpu.memory_space<vmem>>
        %dma_start3A_472 = arith.constant 0 : i32
        %dma_start3A_473 = tpu.memref_slice %dma_start3A_471[%dma_start3A_472] : memref<56xi32, #tpu.memory_space<vmem>> -> memref<50xi32, #tpu.memory_space<vmem>>
        %dma_start3A_474 = arith.constant 0 : i32
        %dma_start3A_475 = arith.constant 0 : i32
        %dma_start3A_476 = tpu.memref_slice %arg3[%dma_start3A_474, %dma_start3A_475] : memref<1000000x128xf32, #tpu.memory_space<hbm>> -> memref<1000000x128xf32, #tpu.memory_space<hbm>>
        tpu.enqueue_indirect_dma source(%dma_start3A_476 : memref<1000000x128xf32, #tpu.memory_space<hbm>>) target(%dma_start3A_468 : memref<50x128xf32, #tpu.memory_space<vmem>>) offsets(%dma_start3A_473 : memref<50xi32, #tpu.memory_space<vmem>>) semaphore(%arg11 : memref<!tpu.dma_semaphore, #tpu.memory_space<semaphore_mem>>)
        %dma_start3A_477 = arith.constant 4 : i32
        %dma_start3A_478 = arith.constant 224 : i32
        %dma_start3A_479 = arith.constant 0 : i32
        %dma_start3A_480 = tpu.memref_slice %arg8[%dma_start3A_478, %dma_start3A_479] : memref<448x128xf32, #tpu.memory_space<vmem>> -> memref<50x128xf32, #tpu.memory_space<vmem>>
        %dma_start3A_481 = arith.constant 0 : i32
        %dma_start3A_482 = tpu.memref_slice %arg6[%dma_start3A_477, %dma_start3A_481] : memref<8x56xi32, #tpu.memory_space<vmem>> -> memref<1x56xi32, #tpu.memory_space<vmem>>
        %dma_start3A_483 = tpu.memref_squeeze %dma_start3A_482 : memref<1x56xi32, #tpu.memory_space<vmem>> -> memref<56xi32, #tpu.memory_space<vmem>>
        %dma_start3A_484 = arith.constant 0 : i32
        %dma_start3A_485 = tpu.memref_slice %dma_start3A_483[%dma_start3A_484] : memref<56xi32, #tpu.memory_space<vmem>> -> memref<50xi32, #tpu.memory_space<vmem>>
        %dma_start3A_486 = arith.constant 0 : i32
        %dma_start3A_487 = arith.constant 0 : i32
        %dma_start3A_488 = tpu.memref_slice %arg3[%dma_start3A_486, %dma_start3A_487] : memref<1000000x128xf32, #tpu.memory_space<hbm>> -> memref<1000000x128xf32, #tpu.memory_space<hbm>>
        tpu.enqueue_indirect_dma source(%dma_start3A_488 : memref<1000000x128xf32, #tpu.memory_space<hbm>>) target(%dma_start3A_480 : memref<50x128xf32, #tpu.memory_space<vmem>>) offsets(%dma_start3A_485 : memref<50xi32, #tpu.memory_space<vmem>>) semaphore(%arg11 : memref<!tpu.dma_semaphore, #tpu.memory_space<semaphore_mem>>)
        %dma_start3A_489 = arith.constant 5 : i32
        %dma_start3A_490 = arith.constant 280 : i32
        %dma_start3A_491 = arith.constant 0 : i32
        %dma_start3A_492 = tpu.memref_slice %arg8[%dma_start3A_490, %dma_start3A_491] : memref<448x128xf32, #tpu.memory_space<vmem>> -> memref<50x128xf32, #tpu.memory_space<vmem>>
        %dma_start3A_493 = arith.constant 0 : i32
        %dma_start3A_494 = tpu.memref_slice %arg6[%dma_start3A_489, %dma_start3A_493] : memref<8x56xi32, #tpu.memory_space<vmem>> -> memref<1x56xi32, #tpu.memory_space<vmem>>
        %dma_start3A_495 = tpu.memref_squeeze %dma_start3A_494 : memref<1x56xi32, #tpu.memory_space<vmem>> -> memref<56xi32, #tpu.memory_space<vmem>>
        %dma_start3A_496 = arith.constant 0 : i32
        %dma_start3A_497 = tpu.memref_slice %dma_start3A_495[%dma_start3A_496] : memref<56xi32, #tpu.memory_space<vmem>> -> memref<50xi32, #tpu.memory_space<vmem>>
        %dma_start3A_498 = arith.constant 0 : i32
        %dma_start3A_499 = arith.constant 0 : i32
        %dma_start3A_500 = tpu.memref_slice %arg3[%dma_start3A_498, %dma_start3A_499] : memref<1000000x128xf32, #tpu.memory_space<hbm>> -> memref<1000000x128xf32, #tpu.memory_space<hbm>>
        tpu.enqueue_indirect_dma source(%dma_start3A_500 : memref<1000000x128xf32, #tpu.memory_space<hbm>>) target(%dma_start3A_492 : memref<50x128xf32, #tpu.memory_space<vmem>>) offsets(%dma_start3A_497 : memref<50xi32, #tpu.memory_space<vmem>>) semaphore(%arg11 : memref<!tpu.dma_semaphore, #tpu.memory_space<semaphore_mem>>)
        %dma_start3A_501 = arith.constant 6 : i32
        %dma_start3A_502 = arith.constant 336 : i32
        %dma_start3A_503 = arith.constant 0 : i32
        %dma_start3A_504 = tpu.memref_slice %arg8[%dma_start3A_502, %dma_start3A_503] : memref<448x128xf32, #tpu.memory_space<vmem>> -> memref<50x128xf32, #tpu.memory_space<vmem>>
        %dma_start3A_505 = arith.constant 0 : i32
        %dma_start3A_506 = tpu.memref_slice %arg6[%dma_start3A_501, %dma_start3A_505] : memref<8x56xi32, #tpu.memory_space<vmem>> -> memref<1x56xi32, #tpu.memory_space<vmem>>
        %dma_start3A_507 = tpu.memref_squeeze %dma_start3A_506 : memref<1x56xi32, #tpu.memory_space<vmem>> -> memref<56xi32, #tpu.memory_space<vmem>>
        %dma_start3A_508 = arith.constant 0 : i32
        %dma_start3A_509 = tpu.memref_slice %dma_start3A_507[%dma_start3A_508] : memref<56xi32, #tpu.memory_space<vmem>> -> memref<50xi32, #tpu.memory_space<vmem>>
        %dma_start3A_510 = arith.constant 0 : i32
        %dma_start3A_511 = arith.constant 0 : i32
        %dma_start3A_512 = tpu.memref_slice %arg3[%dma_start3A_510, %dma_start3A_511] : memref<1000000x128xf32, #tpu.memory_space<hbm>> -> memref<1000000x128xf32, #tpu.memory_space<hbm>>
        tpu.enqueue_indirect_dma source(%dma_start3A_512 : memref<1000000x128xf32, #tpu.memory_space<hbm>>) target(%dma_start3A_504 : memref<50x128xf32, #tpu.memory_space<vmem>>) offsets(%dma_start3A_509 : memref<50xi32, #tpu.memory_space<vmem>>) semaphore(%arg11 : memref<!tpu.dma_semaphore, #tpu.memory_space<semaphore_mem>>)
        %dma_start3A_513 = arith.constant 7 : i32
        %dma_start3A_514 = arith.constant 392 : i32
        %dma_start3A_515 = arith.constant 0 : i32
        %dma_start3A_516 = tpu.memref_slice %arg8[%dma_start3A_514, %dma_start3A_515] : memref<448x128xf32, #tpu.memory_space<vmem>> -> memref<50x128xf32, #tpu.memory_space<vmem>>
        %dma_start3A_517 = arith.constant 0 : i32
        %dma_start3A_518 = tpu.memref_slice %arg6[%dma_start3A_513, %dma_start3A_517] : memref<8x56xi32, #tpu.memory_space<vmem>> -> memref<1x56xi32, #tpu.memory_space<vmem>>
        %dma_start3A_519 = tpu.memref_squeeze %dma_start3A_518 : memref<1x56xi32, #tpu.memory_space<vmem>> -> memref<56xi32, #tpu.memory_space<vmem>>
        %dma_start3A_520 = arith.constant 0 : i32
        %dma_start3A_521 = tpu.memref_slice %dma_start3A_519[%dma_start3A_520] : memref<56xi32, #tpu.memory_space<vmem>> -> memref<50xi32, #tpu.memory_space<vmem>>
        %dma_start3A_522 = arith.constant 0 : i32
        %dma_start3A_523 = arith.constant 0 : i32
        %dma_start3A_524 = tpu.memref_slice %arg3[%dma_start3A_522, %dma_start3A_523] : memref<1000000x128xf32, #tpu.memory_space<hbm>> -> memref<1000000x128xf32, #tpu.memory_space<hbm>>
        tpu.enqueue_indirect_dma source(%dma_start3A_524 : memref<1000000x128xf32, #tpu.memory_space<hbm>>) target(%dma_start3A_516 : memref<50x128xf32, #tpu.memory_space<vmem>>) offsets(%dma_start3A_521 : memref<50xi32, #tpu.memory_space<vmem>>) semaphore(%arg11 : memref<!tpu.dma_semaphore, #tpu.memory_space<semaphore_mem>>)
      } else {
      }
      %dma_wait3A = arith.constant 0 : i32
      %dma_wait3A_116 = arith.constant 0 : i32
      %dma_wait3A_117 = arith.constant 0 : i32
      %dma_wait3A_118 = tpu.memref_slice %arg7[%dma_wait3A_116, %dma_wait3A_117] : memref<448x128xf32, #tpu.memory_space<vmem>> -> memref<50x128xf32, #tpu.memory_space<vmem>>
      %dma_wait3A_119 = arith.constant 0 : i32
      %dma_wait3A_120 = tpu.memref_slice %arg5[%dma_wait3A, %dma_wait3A_119] : memref<8x56xi32, #tpu.memory_space<vmem>> -> memref<1x56xi32, #tpu.memory_space<vmem>>
      %dma_wait3A_121 = tpu.memref_squeeze %dma_wait3A_120 : memref<1x56xi32, #tpu.memory_space<vmem>> -> memref<56xi32, #tpu.memory_space<vmem>>
      %dma_wait3A_122 = arith.constant 0 : i32
      %dma_wait3A_123 = tpu.memref_slice %dma_wait3A_121[%dma_wait3A_122] : memref<56xi32, #tpu.memory_space<vmem>> -> memref<50xi32, #tpu.memory_space<vmem>>
      %dma_wait3A_124 = arith.constant 0 : i32
      %dma_wait3A_125 = arith.constant 0 : i32
      %dma_wait3A_126 = tpu.memref_slice %arg3[%dma_wait3A_124, %dma_wait3A_125] : memref<1000000x128xf32, #tpu.memory_space<hbm>> -> memref<1000000x128xf32, #tpu.memory_space<hbm>>
      tpu.wait_indirect_dma semaphore(%arg10 : memref<!tpu.dma_semaphore, #tpu.memory_space<semaphore_mem>>) src(%dma_wait3A_126 : memref<1000000x128xf32, #tpu.memory_space<hbm>>) dst(%dma_wait3A_118 : memref<50x128xf32, #tpu.memory_space<vmem>>)
      %dma_wait3A_127 = arith.constant 1 : i32
      %dma_wait3A_128 = arith.constant 56 : i32
      %dma_wait3A_129 = arith.constant 0 : i32
      %dma_wait3A_130 = tpu.memref_slice %arg7[%dma_wait3A_128, %dma_wait3A_129] : memref<448x128xf32, #tpu.memory_space<vmem>> -> memref<50x128xf32, #tpu.memory_space<vmem>>
      %dma_wait3A_131 = arith.constant 0 : i32
      %dma_wait3A_132 = tpu.memref_slice %arg5[%dma_wait3A_127, %dma_wait3A_131] : memref<8x56xi32, #tpu.memory_space<vmem>> -> memref<1x56xi32, #tpu.memory_space<vmem>>
      %dma_wait3A_133 = tpu.memref_squeeze %dma_wait3A_132 : memref<1x56xi32, #tpu.memory_space<vmem>> -> memref<56xi32, #tpu.memory_space<vmem>>
      %dma_wait3A_134 = arith.constant 0 : i32
      %dma_wait3A_135 = tpu.memref_slice %dma_wait3A_133[%dma_wait3A_134] : memref<56xi32, #tpu.memory_space<vmem>> -> memref<50xi32, #tpu.memory_space<vmem>>
      %dma_wait3A_136 = arith.constant 0 : i32
      %dma_wait3A_137 = arith.constant 0 : i32
      %dma_wait3A_138 = tpu.memref_slice %arg3[%dma_wait3A_136, %dma_wait3A_137] : memref<1000000x128xf32, #tpu.memory_space<hbm>> -> memref<1000000x128xf32, #tpu.memory_space<hbm>>
      tpu.wait_indirect_dma semaphore(%arg10 : memref<!tpu.dma_semaphore, #tpu.memory_space<semaphore_mem>>) src(%dma_wait3A_138 : memref<1000000x128xf32, #tpu.memory_space<hbm>>) dst(%dma_wait3A_130 : memref<50x128xf32, #tpu.memory_space<vmem>>)
      %dma_wait3A_139 = arith.constant 2 : i32
      %dma_wait3A_140 = arith.constant 112 : i32
      %dma_wait3A_141 = arith.constant 0 : i32
      %dma_wait3A_142 = tpu.memref_slice %arg7[%dma_wait3A_140, %dma_wait3A_141] : memref<448x128xf32, #tpu.memory_space<vmem>> -> memref<50x128xf32, #tpu.memory_space<vmem>>
      %dma_wait3A_143 = arith.constant 0 : i32
      %dma_wait3A_144 = tpu.memref_slice %arg5[%dma_wait3A_139, %dma_wait3A_143] : memref<8x56xi32, #tpu.memory_space<vmem>> -> memref<1x56xi32, #tpu.memory_space<vmem>>
      %dma_wait3A_145 = tpu.memref_squeeze %dma_wait3A_144 : memref<1x56xi32, #tpu.memory_space<vmem>> -> memref<56xi32, #tpu.memory_space<vmem>>
      %dma_wait3A_146 = arith.constant 0 : i32
      %dma_wait3A_147 = tpu.memref_slice %dma_wait3A_145[%dma_wait3A_146] : memref<56xi32, #tpu.memory_space<vmem>> -> memref<50xi32, #tpu.memory_space<vmem>>
      %dma_wait3A_148 = arith.constant 0 : i32
      %dma_wait3A_149 = arith.constant 0 : i32
      %dma_wait3A_150 = tpu.memref_slice %arg3[%dma_wait3A_148, %dma_wait3A_149] : memref<1000000x128xf32, #tpu.memory_space<hbm>> -> memref<1000000x128xf32, #tpu.memory_space<hbm>>
      tpu.wait_indirect_dma semaphore(%arg10 : memref<!tpu.dma_semaphore, #tpu.memory_space<semaphore_mem>>) src(%dma_wait3A_150 : memref<1000000x128xf32, #tpu.memory_space<hbm>>) dst(%dma_wait3A_142 : memref<50x128xf32, #tpu.memory_space<vmem>>)
      %dma_wait3A_151 = arith.constant 3 : i32
      %dma_wait3A_152 = arith.constant 168 : i32
      %dma_wait3A_153 = arith.constant 0 : i32
      %dma_wait3A_154 = tpu.memref_slice %arg7[%dma_wait3A_152, %dma_wait3A_153] : memref<448x128xf32, #tpu.memory_space<vmem>> -> memref<50x128xf32, #tpu.memory_space<vmem>>
      %dma_wait3A_155 = arith.constant 0 : i32
      %dma_wait3A_156 = tpu.memref_slice %arg5[%dma_wait3A_151, %dma_wait3A_155] : memref<8x56xi32, #tpu.memory_space<vmem>> -> memref<1x56xi32, #tpu.memory_space<vmem>>
      %dma_wait3A_157 = tpu.memref_squeeze %dma_wait3A_156 : memref<1x56xi32, #tpu.memory_space<vmem>> -> memref<56xi32, #tpu.memory_space<vmem>>
      %dma_wait3A_158 = arith.constant 0 : i32
      %dma_wait3A_159 = tpu.memref_slice %dma_wait3A_157[%dma_wait3A_158] : memref<56xi32, #tpu.memory_space<vmem>> -> memref<50xi32, #tpu.memory_space<vmem>>
      %dma_wait3A_160 = arith.constant 0 : i32
      %dma_wait3A_161 = arith.constant 0 : i32
      %dma_wait3A_162 = tpu.memref_slice %arg3[%dma_wait3A_160, %dma_wait3A_161] : memref<1000000x128xf32, #tpu.memory_space<hbm>> -> memref<1000000x128xf32, #tpu.memory_space<hbm>>
      tpu.wait_indirect_dma semaphore(%arg10 : memref<!tpu.dma_semaphore, #tpu.memory_space<semaphore_mem>>) src(%dma_wait3A_162 : memref<1000000x128xf32, #tpu.memory_space<hbm>>) dst(%dma_wait3A_154 : memref<50x128xf32, #tpu.memory_space<vmem>>)
      %dma_wait3A_163 = arith.constant 4 : i32
      %dma_wait3A_164 = arith.constant 224 : i32
      %dma_wait3A_165 = arith.constant 0 : i32
      %dma_wait3A_166 = tpu.memref_slice %arg7[%dma_wait3A_164, %dma_wait3A_165] : memref<448x128xf32, #tpu.memory_space<vmem>> -> memref<50x128xf32, #tpu.memory_space<vmem>>
      %dma_wait3A_167 = arith.constant 0 : i32
      %dma_wait3A_168 = tpu.memref_slice %arg5[%dma_wait3A_163, %dma_wait3A_167] : memref<8x56xi32, #tpu.memory_space<vmem>> -> memref<1x56xi32, #tpu.memory_space<vmem>>
      %dma_wait3A_169 = tpu.memref_squeeze %dma_wait3A_168 : memref<1x56xi32, #tpu.memory_space<vmem>> -> memref<56xi32, #tpu.memory_space<vmem>>
      %dma_wait3A_170 = arith.constant 0 : i32
      %dma_wait3A_171 = tpu.memref_slice %dma_wait3A_169[%dma_wait3A_170] : memref<56xi32, #tpu.memory_space<vmem>> -> memref<50xi32, #tpu.memory_space<vmem>>
      %dma_wait3A_172 = arith.constant 0 : i32
      %dma_wait3A_173 = arith.constant 0 : i32
      %dma_wait3A_174 = tpu.memref_slice %arg3[%dma_wait3A_172, %dma_wait3A_173] : memref<1000000x128xf32, #tpu.memory_space<hbm>> -> memref<1000000x128xf32, #tpu.memory_space<hbm>>
      tpu.wait_indirect_dma semaphore(%arg10 : memref<!tpu.dma_semaphore, #tpu.memory_space<semaphore_mem>>) src(%dma_wait3A_174 : memref<1000000x128xf32, #tpu.memory_space<hbm>>) dst(%dma_wait3A_166 : memref<50x128xf32, #tpu.memory_space<vmem>>)
      %dma_wait3A_175 = arith.constant 5 : i32
      %dma_wait3A_176 = arith.constant 280 : i32
      %dma_wait3A_177 = arith.constant 0 : i32
      %dma_wait3A_178 = tpu.memref_slice %arg7[%dma_wait3A_176, %dma_wait3A_177] : memref<448x128xf32, #tpu.memory_space<vmem>> -> memref<50x128xf32, #tpu.memory_space<vmem>>
      %dma_wait3A_179 = arith.constant 0 : i32
      %dma_wait3A_180 = tpu.memref_slice %arg5[%dma_wait3A_175, %dma_wait3A_179] : memref<8x56xi32, #tpu.memory_space<vmem>> -> memref<1x56xi32, #tpu.memory_space<vmem>>
      %dma_wait3A_181 = tpu.memref_squeeze %dma_wait3A_180 : memref<1x56xi32, #tpu.memory_space<vmem>> -> memref<56xi32, #tpu.memory_space<vmem>>
      %dma_wait3A_182 = arith.constant 0 : i32
      %dma_wait3A_183 = tpu.memref_slice %dma_wait3A_181[%dma_wait3A_182] : memref<56xi32, #tpu.memory_space<vmem>> -> memref<50xi32, #tpu.memory_space<vmem>>
      %dma_wait3A_184 = arith.constant 0 : i32
      %dma_wait3A_185 = arith.constant 0 : i32
      %dma_wait3A_186 = tpu.memref_slice %arg3[%dma_wait3A_184, %dma_wait3A_185] : memref<1000000x128xf32, #tpu.memory_space<hbm>> -> memref<1000000x128xf32, #tpu.memory_space<hbm>>
      tpu.wait_indirect_dma semaphore(%arg10 : memref<!tpu.dma_semaphore, #tpu.memory_space<semaphore_mem>>) src(%dma_wait3A_186 : memref<1000000x128xf32, #tpu.memory_space<hbm>>) dst(%dma_wait3A_178 : memref<50x128xf32, #tpu.memory_space<vmem>>)
      %dma_wait3A_187 = arith.constant 6 : i32
      %dma_wait3A_188 = arith.constant 336 : i32
      %dma_wait3A_189 = arith.constant 0 : i32
      %dma_wait3A_190 = tpu.memref_slice %arg7[%dma_wait3A_188, %dma_wait3A_189] : memref<448x128xf32, #tpu.memory_space<vmem>> -> memref<50x128xf32, #tpu.memory_space<vmem>>
      %dma_wait3A_191 = arith.constant 0 : i32
      %dma_wait3A_192 = tpu.memref_slice %arg5[%dma_wait3A_187, %dma_wait3A_191] : memref<8x56xi32, #tpu.memory_space<vmem>> -> memref<1x56xi32, #tpu.memory_space<vmem>>
      %dma_wait3A_193 = tpu.memref_squeeze %dma_wait3A_192 : memref<1x56xi32, #tpu.memory_space<vmem>> -> memref<56xi32, #tpu.memory_space<vmem>>
      %dma_wait3A_194 = arith.constant 0 : i32
      %dma_wait3A_195 = tpu.memref_slice %dma_wait3A_193[%dma_wait3A_194] : memref<56xi32, #tpu.memory_space<vmem>> -> memref<50xi32, #tpu.memory_space<vmem>>
      %dma_wait3A_196 = arith.constant 0 : i32
      %dma_wait3A_197 = arith.constant 0 : i32
      %dma_wait3A_198 = tpu.memref_slice %arg3[%dma_wait3A_196, %dma_wait3A_197] : memref<1000000x128xf32, #tpu.memory_space<hbm>> -> memref<1000000x128xf32, #tpu.memory_space<hbm>>
      tpu.wait_indirect_dma semaphore(%arg10 : memref<!tpu.dma_semaphore, #tpu.memory_space<semaphore_mem>>) src(%dma_wait3A_198 : memref<1000000x128xf32, #tpu.memory_space<hbm>>) dst(%dma_wait3A_190 : memref<50x128xf32, #tpu.memory_space<vmem>>)
      %dma_wait3A_199 = arith.constant 7 : i32
      %dma_wait3A_200 = arith.constant 392 : i32
      %dma_wait3A_201 = arith.constant 0 : i32
      %dma_wait3A_202 = tpu.memref_slice %arg7[%dma_wait3A_200, %dma_wait3A_201] : memref<448x128xf32, #tpu.memory_space<vmem>> -> memref<50x128xf32, #tpu.memory_space<vmem>>
      %dma_wait3A_203 = arith.constant 0 : i32
      %dma_wait3A_204 = tpu.memref_slice %arg5[%dma_wait3A_199, %dma_wait3A_203] : memref<8x56xi32, #tpu.memory_space<vmem>> -> memref<1x56xi32, #tpu.memory_space<vmem>>
      %dma_wait3A_205 = tpu.memref_squeeze %dma_wait3A_204 : memref<1x56xi32, #tpu.memory_space<vmem>> -> memref<56xi32, #tpu.memory_space<vmem>>
      %dma_wait3A_206 = arith.constant 0 : i32
      %dma_wait3A_207 = tpu.memref_slice %dma_wait3A_205[%dma_wait3A_206] : memref<56xi32, #tpu.memory_space<vmem>> -> memref<50xi32, #tpu.memory_space<vmem>>
      %dma_wait3A_208 = arith.constant 0 : i32
      %dma_wait3A_209 = arith.constant 0 : i32
      %dma_wait3A_210 = tpu.memref_slice %arg3[%dma_wait3A_208, %dma_wait3A_209] : memref<1000000x128xf32, #tpu.memory_space<hbm>> -> memref<1000000x128xf32, #tpu.memory_space<hbm>>
      tpu.wait_indirect_dma semaphore(%arg10 : memref<!tpu.dma_semaphore, #tpu.memory_space<semaphore_mem>>) src(%dma_wait3A_210 : memref<1000000x128xf32, #tpu.memory_space<hbm>>) dst(%dma_wait3A_202 : memref<50x128xf32, #tpu.memory_space<vmem>>)
      %add3A_211 = arith.constant 2 : i32
      %add3A_212 = arith.addi %mul3A_111, %add3A_211 : i32
      %lt3A_213 = arith.constant 128 : i32
      %lt3A_214 = arith.cmpi slt, %add3A_212, %lt3A_213 : i32
      %convert_element_type3A_215 = arith.extui %lt3A_214 : i1 to i32
      %cond3A_216 = arith.constant 0 : i32
      %cond3A_217 = arith.cmpi ne, %convert_element_type3A_215, %cond3A_216 : i32
      scf.if %cond3A_217 {
        %add3A_420 = arith.constant 2 : i32
        %add3A_421 = arith.addi %mul3A_111, %add3A_420 : i32
        %mul3A_422 = arith.constant 8 : i32
        %mul3A_423 = arith.muli %add3A_421, %mul3A_422 : i32
        %add3A_424 = arith.addi %mul3A_2, %mul3A_423 : i32
        %dma_start3A_425 = arith.constant 0 : i32
        %dma_start3A_426 = tpu.memref_slice %arg2[%add3A_424, %dma_start3A_425] : memref<32768x56xi32, #tpu.memory_space<hbm>> -> memref<8x56xi32, #tpu.memory_space<hbm>>
        %dma_start3A_427 = arith.constant 0 : i32
        %dma_start3A_428 = tpu.memref_slice %arg2[%add3A_424, %dma_start3A_427] : memref<32768x56xi32, #tpu.memory_space<hbm>> -> memref<8x56xi32, #tpu.memory_space<hbm>>
        tpu.enqueue_dma source(%dma_start3A_428 : memref<8x56xi32, #tpu.memory_space<hbm>>) target(%arg5 : memref<8x56xi32, #tpu.memory_space<vmem>>) target_semaphore(%arg12 : memref<!tpu.dma_semaphore, #tpu.memory_space<semaphore_mem>>)
      } else {
      }
      %jit3A = arith.constant 8 : i32
      %eq3A = arith.constant 0 : i32
      %eq3A_218 = arith.cmpi eq, %jit3A, %eq3A : i32
      %jit3A_219 = arith.constant 1 : i32
      %select_n3A = arith.select %eq3A_218, %jit3A_219, %jit3A : i32
      %rem3A = arith.remsi %mul3A_111, %select_n3A : i32
      %ne3A = arith.constant 0 : i32
      %ne3A_220 = arith.cmpi ne, %rem3A, %ne3A : i32
      %lt3A_221 = arith.constant 0 : i32
      %lt3A_222 = arith.cmpi slt, %rem3A, %lt3A_221 : i32
      %lt3A_223 = arith.constant 0 : i32
      %lt3A_224 = arith.cmpi slt, %select_n3A, %lt3A_223 : i32
      %ne3A_225 = arith.xori %lt3A_222, %lt3A_224 : i1
      %and3A = arith.andi %ne3A_225, %ne3A_220 : i1
      %add3A_226 = arith.addi %rem3A, %select_n3A : i32
      %select_n3A_227 = arith.select %and3A, %add3A_226, %rem3A : i32
      %mul3A_228 = arith.constant 8 : i32
      %mul3A_229 = arith.muli %select_n3A_227, %mul3A_228 : i32
      %scan3A_230 = arith.constant 0 : i32
      %scan3A_231 = arith.constant 0 : i32
      %scan3A_232 = arith.constant 8 : i32
      %scan3A_233 = arith.addi %scan3A_231, %scan3A_232 : i32
      %scan3A_234 = arith.constant 1 : i32
      scf.for %scan3A_420 = %scan3A_231 to %scan3A_233 step %scan3A_234  : i32 {
        %broadcast_in_dim3A = arith.constant 0.000000e+00 : f32
        %broadcast_in_dim3A_421 = vector.broadcast %broadcast_in_dim3A : f32 to vector<16xf32>
        %broadcast_in_dim3A_422 = arith.constant 0.000000e+00 : f32
        %broadcast_in_dim3A_423 = vector.broadcast %broadcast_in_dim3A_422 : f32 to vector<16xf32>
        %broadcast_in_dim3A_424 = arith.constant 0.000000e+00 : f32
        %broadcast_in_dim3A_425 = vector.broadcast %broadcast_in_dim3A_424 : f32 to vector<16xf32>
        %broadcast_in_dim3A_426 = arith.constant 0.000000e+00 : f32
        %broadcast_in_dim3A_427 = vector.broadcast %broadcast_in_dim3A_426 : f32 to vector<16xf32>
        %broadcast_in_dim3A_428 = arith.constant 0.000000e+00 : f32
        %broadcast_in_dim3A_429 = vector.broadcast %broadcast_in_dim3A_428 : f32 to vector<16xf32>
        %broadcast_in_dim3A_430 = arith.constant 0.000000e+00 : f32
        %broadcast_in_dim3A_431 = vector.broadcast %broadcast_in_dim3A_430 : f32 to vector<16xf32>
        %broadcast_in_dim3A_432 = arith.constant 0.000000e+00 : f32
        %broadcast_in_dim3A_433 = vector.broadcast %broadcast_in_dim3A_432 : f32 to vector<16xf32>
        %broadcast_in_dim3A_434 = arith.constant 0.000000e+00 : f32
        %broadcast_in_dim3A_435 = vector.broadcast %broadcast_in_dim3A_434 : f32 to vector<16xf32>
        %scan3A_436 = arith.constant 0 : i32
        %scan3A_437 = arith.constant 10 : i32
        %scan3A_438 = arith.addi %scan3A_436, %scan3A_437 : i32
        %scan3A_439 = arith.constant 1 : i32
        %scan3A_440:8 = scf.for %scan3A_489 = %scan3A_436 to %scan3A_438 step %scan3A_439 iter_args(%scan3A_490 = %broadcast_in_dim3A_421, %scan3A_491 = %broadcast_in_dim3A_423, %scan3A_492 = %broadcast_in_dim3A_425, %scan3A_493 = %broadcast_in_dim3A_427, %scan3A_494 = %broadcast_in_dim3A_429, %scan3A_495 = %broadcast_in_dim3A_431, %scan3A_496 = %broadcast_in_dim3A_433, %scan3A_497 = %broadcast_in_dim3A_435) -> (vector<16xf32>, vector<16xf32>, vector<16xf32>, vector<16xf32>, vector<16xf32>, vector<16xf32>, vector<16xf32>, vector<16xf32>)  : i32 {
          %mul3A_498 = arith.constant 56 : i32
          %mul3A_499 = arith.muli %scan3A_420, %mul3A_498 : i32
          %mul3A_500 = arith.constant 5 : i32
          %mul3A_501 = arith.muli %mul3A_500, %scan3A_489 : i32
          %add3A_502 = arith.addi %mul3A_499, %mul3A_501 : i32
          %add3A_503 = arith.constant 0 : i32
          %add3A_504 = arith.addi %add3A_502, %add3A_503 : i32
          %get3A = arith.index_cast %add3A_504 : i32 to index
          %get3A_505 = arith.constant 0 : index
          %get3A_506 = tpu.vector_load %arg7[%get3A, %get3A_505] {strides = array<i32>} : memref<448x128xf32, #tpu.memory_space<vmem>>, vector<1x16xf32>,
          %get3A_507 = vector.shape_cast %get3A_506 : vector<1x16xf32> to vector<16xf32>
          %add3A_508 = arith.addf %scan3A_490, %get3A_507 : vector<16xf32>
          %add3A_509 = arith.constant 0 : i32
          %add3A_510 = arith.addi %add3A_502, %add3A_509 : i32
          %get3A_511 = arith.index_cast %add3A_510 : i32 to index
          %get3A_512 = arith.constant 16 : index
          %get3A_513 = tpu.vector_load %arg7[%get3A_511, %get3A_512] {strides = array<i32>} : memref<448x128xf32, #tpu.memory_space<vmem>>, vector<1x16xf32>,
          %get3A_514 = vector.shape_cast %get3A_513 : vector<1x16xf32> to vector<16xf32>
          %add3A_515 = arith.addf %scan3A_491, %get3A_514 : vector<16xf32>
          %add3A_516 = arith.constant 0 : i32
          %add3A_517 = arith.addi %add3A_502, %add3A_516 : i32
          %get3A_518 = arith.index_cast %add3A_517 : i32 to index
          %get3A_519 = arith.constant 32 : index
          %get3A_520 = tpu.vector_load %arg7[%get3A_518, %get3A_519] {strides = array<i32>} : memref<448x128xf32, #tpu.memory_space<vmem>>, vector<1x16xf32>,
          %get3A_521 = vector.shape_cast %get3A_520 : vector<1x16xf32> to vector<16xf32>
          %add3A_522 = arith.addf %scan3A_492, %get3A_521 : vector<16xf32>
          %add3A_523 = arith.constant 0 : i32
          %add3A_524 = arith.addi %add3A_502, %add3A_523 : i32
          %get3A_525 = arith.index_cast %add3A_524 : i32 to index
          %get3A_526 = arith.constant 48 : index
          %get3A_527 = tpu.vector_load %arg7[%get3A_525, %get3A_526] {strides = array<i32>} : memref<448x128xf32, #tpu.memory_space<vmem>>, vector<1x16xf32>,
          %get3A_528 = vector.shape_cast %get3A_527 : vector<1x16xf32> to vector<16xf32>
          %add3A_529 = arith.addf %scan3A_493, %get3A_528 : vector<16xf32>
          %add3A_530 = arith.constant 0 : i32
          %add3A_531 = arith.addi %add3A_502, %add3A_530 : i32
          %get3A_532 = arith.index_cast %add3A_531 : i32 to index
          %get3A_533 = arith.constant 64 : index
          %get3A_534 = tpu.vector_load %arg7[%get3A_532, %get3A_533] {strides = array<i32>} : memref<448x128xf32, #tpu.memory_space<vmem>>, vector<1x16xf32>,
          %get3A_535 = vector.shape_cast %get3A_534 : vector<1x16xf32> to vector<16xf32>
          %add3A_536 = arith.addf %scan3A_494, %get3A_535 : vector<16xf32>
          %add3A_537 = arith.constant 0 : i32
          %add3A_538 = arith.addi %add3A_502, %add3A_537 : i32
          %get3A_539 = arith.index_cast %add3A_538 : i32 to index
          %get3A_540 = arith.constant 80 : index
          %get3A_541 = tpu.vector_load %arg7[%get3A_539, %get3A_540] {strides = array<i32>} : memref<448x128xf32, #tpu.memory_space<vmem>>, vector<1x16xf32>,
          %get3A_542 = vector.shape_cast %get3A_541 : vector<1x16xf32> to vector<16xf32>
          %add3A_543 = arith.addf %scan3A_495, %get3A_542 : vector<16xf32>
          %add3A_544 = arith.constant 0 : i32
          %add3A_545 = arith.addi %add3A_502, %add3A_544 : i32
          %get3A_546 = arith.index_cast %add3A_545 : i32 to index
          %get3A_547 = arith.constant 96 : index
          %get3A_548 = tpu.vector_load %arg7[%get3A_546, %get3A_547] {strides = array<i32>} : memref<448x128xf32, #tpu.memory_space<vmem>>, vector<1x16xf32>,
          %get3A_549 = vector.shape_cast %get3A_548 : vector<1x16xf32> to vector<16xf32>
          %add3A_550 = arith.addf %scan3A_496, %get3A_549 : vector<16xf32>
          %add3A_551 = arith.constant 0 : i32
          %add3A_552 = arith.addi %add3A_502, %add3A_551 : i32
          %get3A_553 = arith.index_cast %add3A_552 : i32 to index
          %get3A_554 = arith.constant 112 : index
          %get3A_555 = tpu.vector_load %arg7[%get3A_553, %get3A_554] {strides = array<i32>} : memref<448x128xf32, #tpu.memory_space<vmem>>, vector<1x16xf32>,
          %get3A_556 = vector.shape_cast %get3A_555 : vector<1x16xf32> to vector<16xf32>
          %add3A_557 = arith.addf %scan3A_497, %get3A_556 : vector<16xf32>
          %add3A_558 = arith.constant 1 : i32
          %add3A_559 = arith.addi %add3A_502, %add3A_558 : i32
          %get3A_560 = arith.index_cast %add3A_559 : i32 to index
          %get3A_561 = arith.constant 0 : index
          %get3A_562 = tpu.vector_load %arg7[%get3A_560, %get3A_561] {strides = array<i32>} : memref<448x128xf32, #tpu.memory_space<vmem>>, vector<1x16xf32>,
          %get3A_563 = vector.shape_cast %get3A_562 : vector<1x16xf32> to vector<16xf32>
          %add3A_564 = arith.addf %add3A_508, %get3A_563 : vector<16xf32>
          %add3A_565 = arith.constant 1 : i32
          %add3A_566 = arith.addi %add3A_502, %add3A_565 : i32
          %get3A_567 = arith.index_cast %add3A_566 : i32 to index
          %get3A_568 = arith.constant 16 : index
          %get3A_569 = tpu.vector_load %arg7[%get3A_567, %get3A_568] {strides = array<i32>} : memref<448x128xf32, #tpu.memory_space<vmem>>, vector<1x16xf32>,
          %get3A_570 = vector.shape_cast %get3A_569 : vector<1x16xf32> to vector<16xf32>
          %add3A_571 = arith.addf %add3A_515, %get3A_570 : vector<16xf32>
          %add3A_572 = arith.constant 1 : i32
          %add3A_573 = arith.addi %add3A_502, %add3A_572 : i32
          %get3A_574 = arith.index_cast %add3A_573 : i32 to index
          %get3A_575 = arith.constant 32 : index
          %get3A_576 = tpu.vector_load %arg7[%get3A_574, %get3A_575] {strides = array<i32>} : memref<448x128xf32, #tpu.memory_space<vmem>>, vector<1x16xf32>,
          %get3A_577 = vector.shape_cast %get3A_576 : vector<1x16xf32> to vector<16xf32>
          %add3A_578 = arith.addf %add3A_522, %get3A_577 : vector<16xf32>
          %add3A_579 = arith.constant 1 : i32
          %add3A_580 = arith.addi %add3A_502, %add3A_579 : i32
          %get3A_581 = arith.index_cast %add3A_580 : i32 to index
          %get3A_582 = arith.constant 48 : index
          %get3A_583 = tpu.vector_load %arg7[%get3A_581, %get3A_582] {strides = array<i32>} : memref<448x128xf32, #tpu.memory_space<vmem>>, vector<1x16xf32>,
          %get3A_584 = vector.shape_cast %get3A_583 : vector<1x16xf32> to vector<16xf32>
          %add3A_585 = arith.addf %add3A_529, %get3A_584 : vector<16xf32>
          %add3A_586 = arith.constant 1 : i32
          %add3A_587 = arith.addi %add3A_502, %add3A_586 : i32
          %get3A_588 = arith.index_cast %add3A_587 : i32 to index
          %get3A_589 = arith.constant 64 : index
          %get3A_590 = tpu.vector_load %arg7[%get3A_588, %get3A_589] {strides = array<i32>} : memref<448x128xf32, #tpu.memory_space<vmem>>, vector<1x16xf32>,
          %get3A_591 = vector.shape_cast %get3A_590 : vector<1x16xf32> to vector<16xf32>
          %add3A_592 = arith.addf %add3A_536, %get3A_591 : vector<16xf32>
          %add3A_593 = arith.constant 1 : i32
          %add3A_594 = arith.addi %add3A_502, %add3A_593 : i32
          %get3A_595 = arith.index_cast %add3A_594 : i32 to index
          %get3A_596 = arith.constant 80 : index
          %get3A_597 = tpu.vector_load %arg7[%get3A_595, %get3A_596] {strides = array<i32>} : memref<448x128xf32, #tpu.memory_space<vmem>>, vector<1x16xf32>,
          %get3A_598 = vector.shape_cast %get3A_597 : vector<1x16xf32> to vector<16xf32>
          %add3A_599 = arith.addf %add3A_543, %get3A_598 : vector<16xf32>
          %add3A_600 = arith.constant 1 : i32
          %add3A_601 = arith.addi %add3A_502, %add3A_600 : i32
          %get3A_602 = arith.index_cast %add3A_601 : i32 to index
          %get3A_603 = arith.constant 96 : index
          %get3A_604 = tpu.vector_load %arg7[%get3A_602, %get3A_603] {strides = array<i32>} : memref<448x128xf32, #tpu.memory_space<vmem>>, vector<1x16xf32>,
          %get3A_605 = vector.shape_cast %get3A_604 : vector<1x16xf32> to vector<16xf32>
          %add3A_606 = arith.addf %add3A_550, %get3A_605 : vector<16xf32>
          %add3A_607 = arith.constant 1 : i32
          %add3A_608 = arith.addi %add3A_502, %add3A_607 : i32
          %get3A_609 = arith.index_cast %add3A_608 : i32 to index
          %get3A_610 = arith.constant 112 : index
          %get3A_611 = tpu.vector_load %arg7[%get3A_609, %get3A_610] {strides = array<i32>} : memref<448x128xf32, #tpu.memory_space<vmem>>, vector<1x16xf32>,
          %get3A_612 = vector.shape_cast %get3A_611 : vector<1x16xf32> to vector<16xf32>
          %add3A_613 = arith.addf %add3A_557, %get3A_612 : vector<16xf32>
          %add3A_614 = arith.constant 2 : i32
          %add3A_615 = arith.addi %add3A_502, %add3A_614 : i32
          %get3A_616 = arith.index_cast %add3A_615 : i32 to index
          %get3A_617 = arith.constant 0 : index
          %get3A_618 = tpu.vector_load %arg7[%get3A_616, %get3A_617] {strides = array<i32>} : memref<448x128xf32, #tpu.memory_space<vmem>>, vector<1x16xf32>,
          %get3A_619 = vector.shape_cast %get3A_618 : vector<1x16xf32> to vector<16xf32>
          %add3A_620 = arith.addf %add3A_564, %get3A_619 : vector<16xf32>
          %add3A_621 = arith.constant 2 : i32
          %add3A_622 = arith.addi %add3A_502, %add3A_621 : i32
          %get3A_623 = arith.index_cast %add3A_622 : i32 to index
          %get3A_624 = arith.constant 16 : index
          %get3A_625 = tpu.vector_load %arg7[%get3A_623, %get3A_624] {strides = array<i32>} : memref<448x128xf32, #tpu.memory_space<vmem>>, vector<1x16xf32>,
          %get3A_626 = vector.shape_cast %get3A_625 : vector<1x16xf32> to vector<16xf32>
          %add3A_627 = arith.addf %add3A_571, %get3A_626 : vector<16xf32>
          %add3A_628 = arith.constant 2 : i32
          %add3A_629 = arith.addi %add3A_502, %add3A_628 : i32
          %get3A_630 = arith.index_cast %add3A_629 : i32 to index
          %get3A_631 = arith.constant 32 : index
          %get3A_632 = tpu.vector_load %arg7[%get3A_630, %get3A_631] {strides = array<i32>} : memref<448x128xf32, #tpu.memory_space<vmem>>, vector<1x16xf32>,
          %get3A_633 = vector.shape_cast %get3A_632 : vector<1x16xf32> to vector<16xf32>
          %add3A_634 = arith.addf %add3A_578, %get3A_633 : vector<16xf32>
          %add3A_635 = arith.constant 2 : i32
          %add3A_636 = arith.addi %add3A_502, %add3A_635 : i32
          %get3A_637 = arith.index_cast %add3A_636 : i32 to index
          %get3A_638 = arith.constant 48 : index
          %get3A_639 = tpu.vector_load %arg7[%get3A_637, %get3A_638] {strides = array<i32>} : memref<448x128xf32, #tpu.memory_space<vmem>>, vector<1x16xf32>,
          %get3A_640 = vector.shape_cast %get3A_639 : vector<1x16xf32> to vector<16xf32>
          %add3A_641 = arith.addf %add3A_585, %get3A_640 : vector<16xf32>
          %add3A_642 = arith.constant 2 : i32
          %add3A_643 = arith.addi %add3A_502, %add3A_642 : i32
          %get3A_644 = arith.index_cast %add3A_643 : i32 to index
          %get3A_645 = arith.constant 64 : index
          %get3A_646 = tpu.vector_load %arg7[%get3A_644, %get3A_645] {strides = array<i32>} : memref<448x128xf32, #tpu.memory_space<vmem>>, vector<1x16xf32>,
          %get3A_647 = vector.shape_cast %get3A_646 : vector<1x16xf32> to vector<16xf32>
          %add3A_648 = arith.addf %add3A_592, %get3A_647 : vector<16xf32>
          %add3A_649 = arith.constant 2 : i32
          %add3A_650 = arith.addi %add3A_502, %add3A_649 : i32
          %get3A_651 = arith.index_cast %add3A_650 : i32 to index
          %get3A_652 = arith.constant 80 : index
          %get3A_653 = tpu.vector_load %arg7[%get3A_651, %get3A_652] {strides = array<i32>} : memref<448x128xf32, #tpu.memory_space<vmem>>, vector<1x16xf32>,
          %get3A_654 = vector.shape_cast %get3A_653 : vector<1x16xf32> to vector<16xf32>
          %add3A_655 = arith.addf %add3A_599, %get3A_654 : vector<16xf32>
          %add3A_656 = arith.constant 2 : i32
          %add3A_657 = arith.addi %add3A_502, %add3A_656 : i32
          %get3A_658 = arith.index_cast %add3A_657 : i32 to index
          %get3A_659 = arith.constant 96 : index
          %get3A_660 = tpu.vector_load %arg7[%get3A_658, %get3A_659] {strides = array<i32>} : memref<448x128xf32, #tpu.memory_space<vmem>>, vector<1x16xf32>,
          %get3A_661 = vector.shape_cast %get3A_660 : vector<1x16xf32> to vector<16xf32>
          %add3A_662 = arith.addf %add3A_606, %get3A_661 : vector<16xf32>
          %add3A_663 = arith.constant 2 : i32
          %add3A_664 = arith.addi %add3A_502, %add3A_663 : i32
          %get3A_665 = arith.index_cast %add3A_664 : i32 to index
          %get3A_666 = arith.constant 112 : index
          %get3A_667 = tpu.vector_load %arg7[%get3A_665, %get3A_666] {strides = array<i32>} : memref<448x128xf32, #tpu.memory_space<vmem>>, vector<1x16xf32>,
          %get3A_668 = vector.shape_cast %get3A_667 : vector<1x16xf32> to vector<16xf32>
          %add3A_669 = arith.addf %add3A_613, %get3A_668 : vector<16xf32>
          %add3A_670 = arith.constant 3 : i32
          %add3A_671 = arith.addi %add3A_502, %add3A_670 : i32
          %get3A_672 = arith.index_cast %add3A_671 : i32 to index
          %get3A_673 = arith.constant 0 : index
          %get3A_674 = tpu.vector_load %arg7[%get3A_672, %get3A_673] {strides = array<i32>} : memref<448x128xf32, #tpu.memory_space<vmem>>, vector<1x16xf32>,
          %get3A_675 = vector.shape_cast %get3A_674 : vector<1x16xf32> to vector<16xf32>
          %add3A_676 = arith.addf %add3A_620, %get3A_675 : vector<16xf32>
          %add3A_677 = arith.constant 3 : i32
          %add3A_678 = arith.addi %add3A_502, %add3A_677 : i32
          %get3A_679 = arith.index_cast %add3A_678 : i32 to index
          %get3A_680 = arith.constant 16 : index
          %get3A_681 = tpu.vector_load %arg7[%get3A_679, %get3A_680] {strides = array<i32>} : memref<448x128xf32, #tpu.memory_space<vmem>>, vector<1x16xf32>,
          %get3A_682 = vector.shape_cast %get3A_681 : vector<1x16xf32> to vector<16xf32>
          %add3A_683 = arith.addf %add3A_627, %get3A_682 : vector<16xf32>
          %add3A_684 = arith.constant 3 : i32
          %add3A_685 = arith.addi %add3A_502, %add3A_684 : i32
          %get3A_686 = arith.index_cast %add3A_685 : i32 to index
          %get3A_687 = arith.constant 32 : index
          %get3A_688 = tpu.vector_load %arg7[%get3A_686, %get3A_687] {strides = array<i32>} : memref<448x128xf32, #tpu.memory_space<vmem>>, vector<1x16xf32>,
          %get3A_689 = vector.shape_cast %get3A_688 : vector<1x16xf32> to vector<16xf32>
          %add3A_690 = arith.addf %add3A_634, %get3A_689 : vector<16xf32>
          %add3A_691 = arith.constant 3 : i32
          %add3A_692 = arith.addi %add3A_502, %add3A_691 : i32
          %get3A_693 = arith.index_cast %add3A_692 : i32 to index
          %get3A_694 = arith.constant 48 : index
          %get3A_695 = tpu.vector_load %arg7[%get3A_693, %get3A_694] {strides = array<i32>} : memref<448x128xf32, #tpu.memory_space<vmem>>, vector<1x16xf32>,
          %get3A_696 = vector.shape_cast %get3A_695 : vector<1x16xf32> to vector<16xf32>
          %add3A_697 = arith.addf %add3A_641, %get3A_696 : vector<16xf32>
          %add3A_698 = arith.constant 3 : i32
          %add3A_699 = arith.addi %add3A_502, %add3A_698 : i32
          %get3A_700 = arith.index_cast %add3A_699 : i32 to index
          %get3A_701 = arith.constant 64 : index
          %get3A_702 = tpu.vector_load %arg7[%get3A_700, %get3A_701] {strides = array<i32>} : memref<448x128xf32, #tpu.memory_space<vmem>>, vector<1x16xf32>,
          %get3A_703 = vector.shape_cast %get3A_702 : vector<1x16xf32> to vector<16xf32>
          %add3A_704 = arith.addf %add3A_648, %get3A_703 : vector<16xf32>
          %add3A_705 = arith.constant 3 : i32
          %add3A_706 = arith.addi %add3A_502, %add3A_705 : i32
          %get3A_707 = arith.index_cast %add3A_706 : i32 to index
          %get3A_708 = arith.constant 80 : index
          %get3A_709 = tpu.vector_load %arg7[%get3A_707, %get3A_708] {strides = array<i32>} : memref<448x128xf32, #tpu.memory_space<vmem>>, vector<1x16xf32>,
          %get3A_710 = vector.shape_cast %get3A_709 : vector<1x16xf32> to vector<16xf32>
          %add3A_711 = arith.addf %add3A_655, %get3A_710 : vector<16xf32>
          %add3A_712 = arith.constant 3 : i32
          %add3A_713 = arith.addi %add3A_502, %add3A_712 : i32
          %get3A_714 = arith.index_cast %add3A_713 : i32 to index
          %get3A_715 = arith.constant 96 : index
          %get3A_716 = tpu.vector_load %arg7[%get3A_714, %get3A_715] {strides = array<i32>} : memref<448x128xf32, #tpu.memory_space<vmem>>, vector<1x16xf32>,
          %get3A_717 = vector.shape_cast %get3A_716 : vector<1x16xf32> to vector<16xf32>
          %add3A_718 = arith.addf %add3A_662, %get3A_717 : vector<16xf32>
          %add3A_719 = arith.constant 3 : i32
          %add3A_720 = arith.addi %add3A_502, %add3A_719 : i32
          %get3A_721 = arith.index_cast %add3A_720 : i32 to index
          %get3A_722 = arith.constant 112 : index
          %get3A_723 = tpu.vector_load %arg7[%get3A_721, %get3A_722] {strides = array<i32>} : memref<448x128xf32, #tpu.memory_space<vmem>>, vector<1x16xf32>,
          %get3A_724 = vector.shape_cast %get3A_723 : vector<1x16xf32> to vector<16xf32>
          %add3A_725 = arith.addf %add3A_669, %get3A_724 : vector<16xf32>
          %add3A_726 = arith.constant 4 : i32
          %add3A_727 = arith.addi %add3A_502, %add3A_726 : i32
          %get3A_728 = arith.index_cast %add3A_727 : i32 to index
          %get3A_729 = arith.constant 0 : index
          %get3A_730 = tpu.vector_load %arg7[%get3A_728, %get3A_729] {strides = array<i32>} : memref<448x128xf32, #tpu.memory_space<vmem>>, vector<1x16xf32>,
          %get3A_731 = vector.shape_cast %get3A_730 : vector<1x16xf32> to vector<16xf32>
          %add3A_732 = arith.addf %add3A_676, %get3A_731 : vector<16xf32>
          %add3A_733 = arith.constant 4 : i32
          %add3A_734 = arith.addi %add3A_502, %add3A_733 : i32
          %get3A_735 = arith.index_cast %add3A_734 : i32 to index
          %get3A_736 = arith.constant 16 : index
          %get3A_737 = tpu.vector_load %arg7[%get3A_735, %get3A_736] {strides = array<i32>} : memref<448x128xf32, #tpu.memory_space<vmem>>, vector<1x16xf32>,
          %get3A_738 = vector.shape_cast %get3A_737 : vector<1x16xf32> to vector<16xf32>
          %add3A_739 = arith.addf %add3A_683, %get3A_738 : vector<16xf32>
          %add3A_740 = arith.constant 4 : i32
          %add3A_741 = arith.addi %add3A_502, %add3A_740 : i32
          %get3A_742 = arith.index_cast %add3A_741 : i32 to index
          %get3A_743 = arith.constant 32 : index
          %get3A_744 = tpu.vector_load %arg7[%get3A_742, %get3A_743] {strides = array<i32>} : memref<448x128xf32, #tpu.memory_space<vmem>>, vector<1x16xf32>,
          %get3A_745 = vector.shape_cast %get3A_744 : vector<1x16xf32> to vector<16xf32>
          %add3A_746 = arith.addf %add3A_690, %get3A_745 : vector<16xf32>
          %add3A_747 = arith.constant 4 : i32
          %add3A_748 = arith.addi %add3A_502, %add3A_747 : i32
          %get3A_749 = arith.index_cast %add3A_748 : i32 to index
          %get3A_750 = arith.constant 48 : index
          %get3A_751 = tpu.vector_load %arg7[%get3A_749, %get3A_750] {strides = array<i32>} : memref<448x128xf32, #tpu.memory_space<vmem>>, vector<1x16xf32>,
          %get3A_752 = vector.shape_cast %get3A_751 : vector<1x16xf32> to vector<16xf32>
          %add3A_753 = arith.addf %add3A_697, %get3A_752 : vector<16xf32>
          %add3A_754 = arith.constant 4 : i32
          %add3A_755 = arith.addi %add3A_502, %add3A_754 : i32
          %get3A_756 = arith.index_cast %add3A_755 : i32 to index
          %get3A_757 = arith.constant 64 : index
          %get3A_758 = tpu.vector_load %arg7[%get3A_756, %get3A_757] {strides = array<i32>} : memref<448x128xf32, #tpu.memory_space<vmem>>, vector<1x16xf32>,
          %get3A_759 = vector.shape_cast %get3A_758 : vector<1x16xf32> to vector<16xf32>
          %add3A_760 = arith.addf %add3A_704, %get3A_759 : vector<16xf32>
          %add3A_761 = arith.constant 4 : i32
          %add3A_762 = arith.addi %add3A_502, %add3A_761 : i32
          %get3A_763 = arith.index_cast %add3A_762 : i32 to index
          %get3A_764 = arith.constant 80 : index
          %get3A_765 = tpu.vector_load %arg7[%get3A_763, %get3A_764] {strides = array<i32>} : memref<448x128xf32, #tpu.memory_space<vmem>>, vector<1x16xf32>,
          %get3A_766 = vector.shape_cast %get3A_765 : vector<1x16xf32> to vector<16xf32>
          %add3A_767 = arith.addf %add3A_711, %get3A_766 : vector<16xf32>
          %add3A_768 = arith.constant 4 : i32
          %add3A_769 = arith.addi %add3A_502, %add3A_768 : i32
          %get3A_770 = arith.index_cast %add3A_769 : i32 to index
          %get3A_771 = arith.constant 96 : index
          %get3A_772 = tpu.vector_load %arg7[%get3A_770, %get3A_771] {strides = array<i32>} : memref<448x128xf32, #tpu.memory_space<vmem>>, vector<1x16xf32>,
          %get3A_773 = vector.shape_cast %get3A_772 : vector<1x16xf32> to vector<16xf32>
          %add3A_774 = arith.addf %add3A_718, %get3A_773 : vector<16xf32>
          %add3A_775 = arith.constant 4 : i32
          %add3A_776 = arith.addi %add3A_502, %add3A_775 : i32
          %get3A_777 = arith.index_cast %add3A_776 : i32 to index
          %get3A_778 = arith.constant 112 : index
          %get3A_779 = tpu.vector_load %arg7[%get3A_777, %get3A_778] {strides = array<i32>} : memref<448x128xf32, #tpu.memory_space<vmem>>, vector<1x16xf32>,
          %get3A_780 = vector.shape_cast %get3A_779 : vector<1x16xf32> to vector<16xf32>
          %add3A_781 = arith.addf %add3A_725, %get3A_780 : vector<16xf32>
          scf.yield %add3A_732, %add3A_739, %add3A_746, %add3A_753, %add3A_760, %add3A_767, %add3A_774, %add3A_781 : vector<16xf32>, vector<16xf32>, vector<16xf32>, vector<16xf32>, vector<16xf32>, vector<16xf32>, vector<16xf32>, vector<16xf32>
        }
        %scan3A_441 = arith.constant 10 : i32
        %add3A_442 = arith.addi %mul3A_229, %scan3A_420 : i32
        %swap3A = arith.index_cast %add3A_442 : i32 to index
        %swap3A_443 = arith.constant 0 : index
        %swap3A_444 = tpu.vector_load %arg9[%swap3A, %swap3A_443] {strides = array<i32>} : memref<64x128xf32, #tpu.memory_space<vmem>>, vector<1x16xf32>,
        %swap3A_445 = vector.shape_cast %swap3A_444 : vector<1x16xf32> to vector<16xf32>
        %swap3A_446 = vector.shape_cast %scan3A_440#0 : vector<16xf32> to vector<1x16xf32>
        tpu.vector_store %arg9[%swap3A, %swap3A_443], %swap3A_446 {strides = array<i32>} : memref<64x128xf32, #tpu.memory_space<vmem>>, vector<1x16xf32>,
        %add3A_447 = arith.addi %mul3A_229, %scan3A_420 : i32
        %swap3A_448 = arith.index_cast %add3A_447 : i32 to index
        %swap3A_449 = arith.constant 16 : index
        %swap3A_450 = tpu.vector_load %arg9[%swap3A_448, %swap3A_449] {strides = array<i32>} : memref<64x128xf32, #tpu.memory_space<vmem>>, vector<1x16xf32>,
        %swap3A_451 = vector.shape_cast %swap3A_450 : vector<1x16xf32> to vector<16xf32>
        %swap3A_452 = vector.shape_cast %scan3A_440#1 : vector<16xf32> to vector<1x16xf32>
        tpu.vector_store %arg9[%swap3A_448, %swap3A_449], %swap3A_452 {strides = array<i32>} : memref<64x128xf32, #tpu.memory_space<vmem>>, vector<1x16xf32>,
        %add3A_453 = arith.addi %mul3A_229, %scan3A_420 : i32
        %swap3A_454 = arith.index_cast %add3A_453 : i32 to index
        %swap3A_455 = arith.constant 32 : index
        %swap3A_456 = tpu.vector_load %arg9[%swap3A_454, %swap3A_455] {strides = array<i32>} : memref<64x128xf32, #tpu.memory_space<vmem>>, vector<1x16xf32>,
        %swap3A_457 = vector.shape_cast %swap3A_456 : vector<1x16xf32> to vector<16xf32>
        %swap3A_458 = vector.shape_cast %scan3A_440#2 : vector<16xf32> to vector<1x16xf32>
        tpu.vector_store %arg9[%swap3A_454, %swap3A_455], %swap3A_458 {strides = array<i32>} : memref<64x128xf32, #tpu.memory_space<vmem>>, vector<1x16xf32>,
        %add3A_459 = arith.addi %mul3A_229, %scan3A_420 : i32
        %swap3A_460 = arith.index_cast %add3A_459 : i32 to index
        %swap3A_461 = arith.constant 48 : index
        %swap3A_462 = tpu.vector_load %arg9[%swap3A_460, %swap3A_461] {strides = array<i32>} : memref<64x128xf32, #tpu.memory_space<vmem>>, vector<1x16xf32>,
        %swap3A_463 = vector.shape_cast %swap3A_462 : vector<1x16xf32> to vector<16xf32>
        %swap3A_464 = vector.shape_cast %scan3A_440#3 : vector<16xf32> to vector<1x16xf32>
        tpu.vector_store %arg9[%swap3A_460, %swap3A_461], %swap3A_464 {strides = array<i32>} : memref<64x128xf32, #tpu.memory_space<vmem>>, vector<1x16xf32>,
        %add3A_465 = arith.addi %mul3A_229, %scan3A_420 : i32
        %swap3A_466 = arith.index_cast %add3A_465 : i32 to index
        %swap3A_467 = arith.constant 64 : index
        %swap3A_468 = tpu.vector_load %arg9[%swap3A_466, %swap3A_467] {strides = array<i32>} : memref<64x128xf32, #tpu.memory_space<vmem>>, vector<1x16xf32>,
        %swap3A_469 = vector.shape_cast %swap3A_468 : vector<1x16xf32> to vector<16xf32>
        %swap3A_470 = vector.shape_cast %scan3A_440#4 : vector<16xf32> to vector<1x16xf32>
        tpu.vector_store %arg9[%swap3A_466, %swap3A_467], %swap3A_470 {strides = array<i32>} : memref<64x128xf32, #tpu.memory_space<vmem>>, vector<1x16xf32>,
        %add3A_471 = arith.addi %mul3A_229, %scan3A_420 : i32
        %swap3A_472 = arith.index_cast %add3A_471 : i32 to index
        %swap3A_473 = arith.constant 80 : index
        %swap3A_474 = tpu.vector_load %arg9[%swap3A_472, %swap3A_473] {strides = array<i32>} : memref<64x128xf32, #tpu.memory_space<vmem>>, vector<1x16xf32>,
        %swap3A_475 = vector.shape_cast %swap3A_474 : vector<1x16xf32> to vector<16xf32>
        %swap3A_476 = vector.shape_cast %scan3A_440#5 : vector<16xf32> to vector<1x16xf32>
        tpu.vector_store %arg9[%swap3A_472, %swap3A_473], %swap3A_476 {strides = array<i32>} : memref<64x128xf32, #tpu.memory_space<vmem>>, vector<1x16xf32>,
        %add3A_477 = arith.addi %mul3A_229, %scan3A_420 : i32
        %swap3A_478 = arith.index_cast %add3A_477 : i32 to index
        %swap3A_479 = arith.constant 96 : index
        %swap3A_480 = tpu.vector_load %arg9[%swap3A_478, %swap3A_479] {strides = array<i32>} : memref<64x128xf32, #tpu.memory_space<vmem>>, vector<1x16xf32>,
        %swap3A_481 = vector.shape_cast %swap3A_480 : vector<1x16xf32> to vector<16xf32>
        %swap3A_482 = vector.shape_cast %scan3A_440#6 : vector<16xf32> to vector<1x16xf32>
        tpu.vector_store %arg9[%swap3A_478, %swap3A_479], %swap3A_482 {strides = array<i32>} : memref<64x128xf32, #tpu.memory_space<vmem>>, vector<1x16xf32>,
        %add3A_483 = arith.addi %mul3A_229, %scan3A_420 : i32
        %swap3A_484 = arith.index_cast %add3A_483 : i32 to index
        %swap3A_485 = arith.constant 112 : index
        %swap3A_486 = tpu.vector_load %arg9[%swap3A_484, %swap3A_485] {strides = array<i32>} : memref<64x128xf32, #tpu.memory_space<vmem>>, vector<1x16xf32>,
        %swap3A_487 = vector.shape_cast %swap3A_486 : vector<1x16xf32> to vector<16xf32>
        %swap3A_488 = vector.shape_cast %scan3A_440#7 : vector<16xf32> to vector<1x16xf32>
        tpu.vector_store %arg9[%swap3A_484, %swap3A_485], %swap3A_488 {strides = array<i32>} : memref<64x128xf32, #tpu.memory_space<vmem>>, vector<1x16xf32>,
      }
      %scan3A_235 = arith.constant 8 : i32
      %add3A_236 = arith.constant 1 : i32
      %add3A_237 = arith.addi %mul3A_111, %add3A_236 : i32
      %jit3A_238 = arith.constant 8 : i32
      %eq3A_239 = arith.constant 0 : i32
      %eq3A_240 = arith.cmpi eq, %jit3A_238, %eq3A_239 : i32
      %jit3A_241 = arith.constant 1 : i32
      %select_n3A_242 = arith.select %eq3A_240, %jit3A_241, %jit3A_238 : i32
      %rem3A_243 = arith.remsi %add3A_237, %select_n3A_242 : i32
      %ne3A_244 = arith.constant 0 : i32
      %ne3A_245 = arith.cmpi ne, %rem3A_243, %ne3A_244 : i32
      %lt3A_246 = arith.constant 0 : i32
      %lt3A_247 = arith.cmpi slt, %rem3A_243, %lt3A_246 : i32
      %lt3A_248 = arith.constant 0 : i32
      %lt3A_249 = arith.cmpi slt, %select_n3A_242, %lt3A_248 : i32
      %ne3A_250 = arith.xori %lt3A_247, %lt3A_249 : i1
      %and3A_251 = arith.andi %ne3A_250, %ne3A_245 : i1
      %add3A_252 = arith.addi %rem3A_243, %select_n3A_242 : i32
      %select_n3A_253 = arith.select %and3A_251, %add3A_252, %rem3A_243 : i32
      %eq3A_254 = arith.constant 0 : i32
      %eq3A_255 = arith.cmpi eq, %select_n3A_253, %eq3A_254 : i32
      %convert_element_type3A_256 = arith.extui %eq3A_255 : i1 to i32
      %cond3A_257 = arith.constant 0 : i32
      %cond3A_258 = arith.cmpi ne, %convert_element_type3A_256, %cond3A_257 : i32
      scf.if %cond3A_258 {
        %jit3A_420 = arith.constant 8 : i32
        %div3A = arith.divsi %mul3A_111, %jit3A_420 : i32
        %sign3A = arith.constant 0 : i32
        %sign3A_421 = arith.cmpi sgt, %mul3A_111, %sign3A : i32
        %sign3A_422 = arith.extui %sign3A_421 : i1 to i32
        %sign3A_423 = arith.constant 0 : i32
        %sign3A_424 = arith.cmpi slt, %mul3A_111, %sign3A_423 : i32
        %sign3A_425 = arith.extui %sign3A_424 : i1 to i32
        %sign3A_426 = arith.subi %sign3A_422, %sign3A_425 : i32
        %sign3A_427 = arith.constant 0 : i32
        %sign3A_428 = arith.cmpi sgt, %jit3A_420, %sign3A_427 : i32
        %sign3A_429 = arith.extui %sign3A_428 : i1 to i32
        %sign3A_430 = arith.constant 0 : i32
        %sign3A_431 = arith.cmpi slt, %jit3A_420, %sign3A_430 : i32
        %sign3A_432 = arith.extui %sign3A_431 : i1 to i32
        %sign3A_433 = arith.subi %sign3A_429, %sign3A_432 : i32
        %ne3A_434 = arith.cmpi ne, %sign3A_426, %sign3A_433 : i32
        %rem3A_435 = arith.remsi %mul3A_111, %jit3A_420 : i32
        %ne3A_436 = arith.constant 0 : i32
        %ne3A_437 = arith.cmpi ne, %rem3A_435, %ne3A_436 : i32
        %and3A_438 = arith.andi %ne3A_434, %ne3A_437 : i1
        %sub3A = arith.constant 1 : i32
        %sub3A_439 = arith.subi %div3A, %sub3A : i32
        %select_n3A_440 = arith.select %and3A_438, %sub3A_439, %div3A : i32
        %mul3A_441 = arith.constant 8 : i32
        %mul3A_442 = arith.muli %select_n3A_440, %mul3A_441 : i32
        %mul3A_443 = arith.constant 8 : i32
        %mul3A_444 = arith.muli %mul3A_442, %mul3A_443 : i32
        %add3A_445 = arith.addi %mul3A_2, %mul3A_444 : i32
        "tpu.region"() ({
          %run_scoped3A = tpu.sem_alloc : memref<!tpu.dma_semaphore, #tpu.memory_space<semaphore_mem>>
          %dma_start3A_446 = arith.constant 0 : i32
          %dma_start3A_447 = tpu.memref_slice %arg4[%add3A_445, %dma_start3A_446] : memref<32768x128xf32, #tpu.memory_space<hbm>> -> memref<64x128xf32, #tpu.memory_space<hbm>>
          %dma_start3A_448 = arith.constant 0 : i32
          %dma_start3A_449 = tpu.memref_slice %arg4[%add3A_445, %dma_start3A_448] : memref<32768x128xf32, #tpu.memory_space<hbm>> -> memref<64x128xf32, #tpu.memory_space<hbm>>
          tpu.enqueue_dma source(%arg9 : memref<64x128xf32, #tpu.memory_space<vmem>>) target(%dma_start3A_449 : memref<64x128xf32, #tpu.memory_space<hbm>>) target_semaphore(%run_scoped3A : memref<!tpu.dma_semaphore, #tpu.memory_space<semaphore_mem>>)
          %dma_wait3A_450 = arith.constant 0 : i32
          %dma_wait3A_451 = tpu.memref_slice %arg4[%add3A_445, %dma_wait3A_450] : memref<32768x128xf32, #tpu.memory_space<hbm>> -> memref<64x128xf32, #tpu.memory_space<hbm>>
          %dma_wait3A_452 = arith.constant 0 : i32
          %dma_wait3A_453 = tpu.memref_slice %arg4[%add3A_445, %dma_wait3A_452] : memref<32768x128xf32, #tpu.memory_space<hbm>> -> memref<64x128xf32, #tpu.memory_space<hbm>>
          tpu.wait_dma2 semaphore(%run_scoped3A : memref<!tpu.dma_semaphore, #tpu.memory_space<semaphore_mem>>) src(%arg9 : memref<64x128xf32, #tpu.memory_space<vmem>>) dst(%dma_wait3A_453 : memref<64x128xf32, #tpu.memory_space<hbm>>)
          tpu.yield
        }) : () -> ()
      } else {
      }
      %mul3A_259 = arith.constant 2 : i32
      %mul3A_260 = arith.muli %mul3A_259, %scan3A_109 : i32
      %add3A_261 = arith.constant 1 : i32
      %add3A_262 = arith.addi %mul3A_260, %add3A_261 : i32
      %add3A_263 = arith.constant 1 : i32
      %add3A_264 = arith.addi %add3A_262, %add3A_263 : i32
      %lt3A_265 = arith.constant 128 : i32
      %lt3A_266 = arith.cmpi slt, %add3A_264, %lt3A_265 : i32
      %convert_element_type3A_267 = arith.extui %lt3A_266 : i1 to i32
      %cond3A_268 = arith.constant 0 : i32
      %cond3A_269 = arith.cmpi ne, %convert_element_type3A_267, %cond3A_268 : i32
      scf.if %cond3A_269 {
        %add3A_420 = arith.constant 1 : i32
        %add3A_421 = arith.addi %add3A_262, %add3A_420 : i32
        %mul3A_422 = arith.constant 8 : i32
        %mul3A_423 = arith.muli %add3A_421, %mul3A_422 : i32
        %add3A_424 = arith.addi %mul3A_2, %mul3A_423 : i32
        %dma_wait3A_425 = arith.constant 0 : i32
        %dma_wait3A_426 = tpu.memref_slice %arg2[%add3A_424, %dma_wait3A_425] : memref<32768x56xi32, #tpu.memory_space<hbm>> -> memref<8x56xi32, #tpu.memory_space<hbm>>
        %dma_wait3A_427 = arith.constant 0 : i32
        %dma_wait3A_428 = tpu.memref_slice %arg2[%add3A_424, %dma_wait3A_427] : memref<32768x56xi32, #tpu.memory_space<hbm>> -> memref<8x56xi32, #tpu.memory_space<hbm>>
        tpu.wait_dma2 semaphore(%arg12 : memref<!tpu.dma_semaphore, #tpu.memory_space<semaphore_mem>>) src(%dma_wait3A_428 : memref<8x56xi32, #tpu.memory_space<hbm>>) dst(%arg5 : memref<8x56xi32, #tpu.memory_space<vmem>>)
        %dma_start3A_429 = arith.constant 0 : i32
        %dma_start3A_430 = arith.constant 0 : i32
        %dma_start3A_431 = arith.constant 0 : i32
        %dma_start3A_432 = tpu.memref_slice %arg7[%dma_start3A_430, %dma_start3A_431] : memref<448x128xf32, #tpu.memory_space<vmem>> -> memref<50x128xf32, #tpu.memory_space<vmem>>
        %dma_start3A_433 = arith.constant 0 : i32
        %dma_start3A_434 = tpu.memref_slice %arg5[%dma_start3A_429, %dma_start3A_433] : memref<8x56xi32, #tpu.memory_space<vmem>> -> memref<1x56xi32, #tpu.memory_space<vmem>>
        %dma_start3A_435 = tpu.memref_squeeze %dma_start3A_434 : memref<1x56xi32, #tpu.memory_space<vmem>> -> memref<56xi32, #tpu.memory_space<vmem>>
        %dma_start3A_436 = arith.constant 0 : i32
        %dma_start3A_437 = tpu.memref_slice %dma_start3A_435[%dma_start3A_436] : memref<56xi32, #tpu.memory_space<vmem>> -> memref<50xi32, #tpu.memory_space<vmem>>
        %dma_start3A_438 = arith.constant 0 : i32
        %dma_start3A_439 = arith.constant 0 : i32
        %dma_start3A_440 = tpu.memref_slice %arg3[%dma_start3A_438, %dma_start3A_439] : memref<1000000x128xf32, #tpu.memory_space<hbm>> -> memref<1000000x128xf32, #tpu.memory_space<hbm>>
        tpu.enqueue_indirect_dma source(%dma_start3A_440 : memref<1000000x128xf32, #tpu.memory_space<hbm>>) target(%dma_start3A_432 : memref<50x128xf32, #tpu.memory_space<vmem>>) offsets(%dma_start3A_437 : memref<50xi32, #tpu.memory_space<vmem>>) semaphore(%arg10 : memref<!tpu.dma_semaphore, #tpu.memory_space<semaphore_mem>>)
        %dma_start3A_441 = arith.constant 1 : i32
        %dma_start3A_442 = arith.constant 56 : i32
        %dma_start3A_443 = arith.constant 0 : i32
        %dma_start3A_444 = tpu.memref_slice %arg7[%dma_start3A_442, %dma_start3A_443] : memref<448x128xf32, #tpu.memory_space<vmem>> -> memref<50x128xf32, #tpu.memory_space<vmem>>
        %dma_start3A_445 = arith.constant 0 : i32
        %dma_start3A_446 = tpu.memref_slice %arg5[%dma_start3A_441, %dma_start3A_445] : memref<8x56xi32, #tpu.memory_space<vmem>> -> memref<1x56xi32, #tpu.memory_space<vmem>>
        %dma_start3A_447 = tpu.memref_squeeze %dma_start3A_446 : memref<1x56xi32, #tpu.memory_space<vmem>> -> memref<56xi32, #tpu.memory_space<vmem>>
        %dma_start3A_448 = arith.constant 0 : i32
        %dma_start3A_449 = tpu.memref_slice %dma_start3A_447[%dma_start3A_448] : memref<56xi32, #tpu.memory_space<vmem>> -> memref<50xi32, #tpu.memory_space<vmem>>
        %dma_start3A_450 = arith.constant 0 : i32
        %dma_start3A_451 = arith.constant 0 : i32
        %dma_start3A_452 = tpu.memref_slice %arg3[%dma_start3A_450, %dma_start3A_451] : memref<1000000x128xf32, #tpu.memory_space<hbm>> -> memref<1000000x128xf32, #tpu.memory_space<hbm>>
        tpu.enqueue_indirect_dma source(%dma_start3A_452 : memref<1000000x128xf32, #tpu.memory_space<hbm>>) target(%dma_start3A_444 : memref<50x128xf32, #tpu.memory_space<vmem>>) offsets(%dma_start3A_449 : memref<50xi32, #tpu.memory_space<vmem>>) semaphore(%arg10 : memref<!tpu.dma_semaphore, #tpu.memory_space<semaphore_mem>>)
        %dma_start3A_453 = arith.constant 2 : i32
        %dma_start3A_454 = arith.constant 112 : i32
        %dma_start3A_455 = arith.constant 0 : i32
        %dma_start3A_456 = tpu.memref_slice %arg7[%dma_start3A_454, %dma_start3A_455] : memref<448x128xf32, #tpu.memory_space<vmem>> -> memref<50x128xf32, #tpu.memory_space<vmem>>
        %dma_start3A_457 = arith.constant 0 : i32
        %dma_start3A_458 = tpu.memref_slice %arg5[%dma_start3A_453, %dma_start3A_457] : memref<8x56xi32, #tpu.memory_space<vmem>> -> memref<1x56xi32, #tpu.memory_space<vmem>>
        %dma_start3A_459 = tpu.memref_squeeze %dma_start3A_458 : memref<1x56xi32, #tpu.memory_space<vmem>> -> memref<56xi32, #tpu.memory_space<vmem>>
        %dma_start3A_460 = arith.constant 0 : i32
        %dma_start3A_461 = tpu.memref_slice %dma_start3A_459[%dma_start3A_460] : memref<56xi32, #tpu.memory_space<vmem>> -> memref<50xi32, #tpu.memory_space<vmem>>
        %dma_start3A_462 = arith.constant 0 : i32
        %dma_start3A_463 = arith.constant 0 : i32
        %dma_start3A_464 = tpu.memref_slice %arg3[%dma_start3A_462, %dma_start3A_463] : memref<1000000x128xf32, #tpu.memory_space<hbm>> -> memref<1000000x128xf32, #tpu.memory_space<hbm>>
        tpu.enqueue_indirect_dma source(%dma_start3A_464 : memref<1000000x128xf32, #tpu.memory_space<hbm>>) target(%dma_start3A_456 : memref<50x128xf32, #tpu.memory_space<vmem>>) offsets(%dma_start3A_461 : memref<50xi32, #tpu.memory_space<vmem>>) semaphore(%arg10 : memref<!tpu.dma_semaphore, #tpu.memory_space<semaphore_mem>>)
        %dma_start3A_465 = arith.constant 3 : i32
        %dma_start3A_466 = arith.constant 168 : i32
        %dma_start3A_467 = arith.constant 0 : i32
        %dma_start3A_468 = tpu.memref_slice %arg7[%dma_start3A_466, %dma_start3A_467] : memref<448x128xf32, #tpu.memory_space<vmem>> -> memref<50x128xf32, #tpu.memory_space<vmem>>
        %dma_start3A_469 = arith.constant 0 : i32
        %dma_start3A_470 = tpu.memref_slice %arg5[%dma_start3A_465, %dma_start3A_469] : memref<8x56xi32, #tpu.memory_space<vmem>> -> memref<1x56xi32, #tpu.memory_space<vmem>>
        %dma_start3A_471 = tpu.memref_squeeze %dma_start3A_470 : memref<1x56xi32, #tpu.memory_space<vmem>> -> memref<56xi32, #tpu.memory_space<vmem>>
        %dma_start3A_472 = arith.constant 0 : i32
        %dma_start3A_473 = tpu.memref_slice %dma_start3A_471[%dma_start3A_472] : memref<56xi32, #tpu.memory_space<vmem>> -> memref<50xi32, #tpu.memory_space<vmem>>
        %dma_start3A_474 = arith.constant 0 : i32
        %dma_start3A_475 = arith.constant 0 : i32
        %dma_start3A_476 = tpu.memref_slice %arg3[%dma_start3A_474, %dma_start3A_475] : memref<1000000x128xf32, #tpu.memory_space<hbm>> -> memref<1000000x128xf32, #tpu.memory_space<hbm>>
        tpu.enqueue_indirect_dma source(%dma_start3A_476 : memref<1000000x128xf32, #tpu.memory_space<hbm>>) target(%dma_start3A_468 : memref<50x128xf32, #tpu.memory_space<vmem>>) offsets(%dma_start3A_473 : memref<50xi32, #tpu.memory_space<vmem>>) semaphore(%arg10 : memref<!tpu.dma_semaphore, #tpu.memory_space<semaphore_mem>>)
        %dma_start3A_477 = arith.constant 4 : i32
        %dma_start3A_478 = arith.constant 224 : i32
        %dma_start3A_479 = arith.constant 0 : i32
        %dma_start3A_480 = tpu.memref_slice %arg7[%dma_start3A_478, %dma_start3A_479] : memref<448x128xf32, #tpu.memory_space<vmem>> -> memref<50x128xf32, #tpu.memory_space<vmem>>
        %dma_start3A_481 = arith.constant 0 : i32
        %dma_start3A_482 = tpu.memref_slice %arg5[%dma_start3A_477, %dma_start3A_481] : memref<8x56xi32, #tpu.memory_space<vmem>> -> memref<1x56xi32, #tpu.memory_space<vmem>>
        %dma_start3A_483 = tpu.memref_squeeze %dma_start3A_482 : memref<1x56xi32, #tpu.memory_space<vmem>> -> memref<56xi32, #tpu.memory_space<vmem>>
        %dma_start3A_484 = arith.constant 0 : i32
        %dma_start3A_485 = tpu.memref_slice %dma_start3A_483[%dma_start3A_484] : memref<56xi32, #tpu.memory_space<vmem>> -> memref<50xi32, #tpu.memory_space<vmem>>
        %dma_start3A_486 = arith.constant 0 : i32
        %dma_start3A_487 = arith.constant 0 : i32
        %dma_start3A_488 = tpu.memref_slice %arg3[%dma_start3A_486, %dma_start3A_487] : memref<1000000x128xf32, #tpu.memory_space<hbm>> -> memref<1000000x128xf32, #tpu.memory_space<hbm>>
        tpu.enqueue_indirect_dma source(%dma_start3A_488 : memref<1000000x128xf32, #tpu.memory_space<hbm>>) target(%dma_start3A_480 : memref<50x128xf32, #tpu.memory_space<vmem>>) offsets(%dma_start3A_485 : memref<50xi32, #tpu.memory_space<vmem>>) semaphore(%arg10 : memref<!tpu.dma_semaphore, #tpu.memory_space<semaphore_mem>>)
        %dma_start3A_489 = arith.constant 5 : i32
        %dma_start3A_490 = arith.constant 280 : i32
        %dma_start3A_491 = arith.constant 0 : i32
        %dma_start3A_492 = tpu.memref_slice %arg7[%dma_start3A_490, %dma_start3A_491] : memref<448x128xf32, #tpu.memory_space<vmem>> -> memref<50x128xf32, #tpu.memory_space<vmem>>
        %dma_start3A_493 = arith.constant 0 : i32
        %dma_start3A_494 = tpu.memref_slice %arg5[%dma_start3A_489, %dma_start3A_493] : memref<8x56xi32, #tpu.memory_space<vmem>> -> memref<1x56xi32, #tpu.memory_space<vmem>>
        %dma_start3A_495 = tpu.memref_squeeze %dma_start3A_494 : memref<1x56xi32, #tpu.memory_space<vmem>> -> memref<56xi32, #tpu.memory_space<vmem>>
        %dma_start3A_496 = arith.constant 0 : i32
        %dma_start3A_497 = tpu.memref_slice %dma_start3A_495[%dma_start3A_496] : memref<56xi32, #tpu.memory_space<vmem>> -> memref<50xi32, #tpu.memory_space<vmem>>
        %dma_start3A_498 = arith.constant 0 : i32
        %dma_start3A_499 = arith.constant 0 : i32
        %dma_start3A_500 = tpu.memref_slice %arg3[%dma_start3A_498, %dma_start3A_499] : memref<1000000x128xf32, #tpu.memory_space<hbm>> -> memref<1000000x128xf32, #tpu.memory_space<hbm>>
        tpu.enqueue_indirect_dma source(%dma_start3A_500 : memref<1000000x128xf32, #tpu.memory_space<hbm>>) target(%dma_start3A_492 : memref<50x128xf32, #tpu.memory_space<vmem>>) offsets(%dma_start3A_497 : memref<50xi32, #tpu.memory_space<vmem>>) semaphore(%arg10 : memref<!tpu.dma_semaphore, #tpu.memory_space<semaphore_mem>>)
        %dma_start3A_501 = arith.constant 6 : i32
        %dma_start3A_502 = arith.constant 336 : i32
        %dma_start3A_503 = arith.constant 0 : i32
        %dma_start3A_504 = tpu.memref_slice %arg7[%dma_start3A_502, %dma_start3A_503] : memref<448x128xf32, #tpu.memory_space<vmem>> -> memref<50x128xf32, #tpu.memory_space<vmem>>
        %dma_start3A_505 = arith.constant 0 : i32
        %dma_start3A_506 = tpu.memref_slice %arg5[%dma_start3A_501, %dma_start3A_505] : memref<8x56xi32, #tpu.memory_space<vmem>> -> memref<1x56xi32, #tpu.memory_space<vmem>>
        %dma_start3A_507 = tpu.memref_squeeze %dma_start3A_506 : memref<1x56xi32, #tpu.memory_space<vmem>> -> memref<56xi32, #tpu.memory_space<vmem>>
        %dma_start3A_508 = arith.constant 0 : i32
        %dma_start3A_509 = tpu.memref_slice %dma_start3A_507[%dma_start3A_508] : memref<56xi32, #tpu.memory_space<vmem>> -> memref<50xi32, #tpu.memory_space<vmem>>
        %dma_start3A_510 = arith.constant 0 : i32
        %dma_start3A_511 = arith.constant 0 : i32
        %dma_start3A_512 = tpu.memref_slice %arg3[%dma_start3A_510, %dma_start3A_511] : memref<1000000x128xf32, #tpu.memory_space<hbm>> -> memref<1000000x128xf32, #tpu.memory_space<hbm>>
        tpu.enqueue_indirect_dma source(%dma_start3A_512 : memref<1000000x128xf32, #tpu.memory_space<hbm>>) target(%dma_start3A_504 : memref<50x128xf32, #tpu.memory_space<vmem>>) offsets(%dma_start3A_509 : memref<50xi32, #tpu.memory_space<vmem>>) semaphore(%arg10 : memref<!tpu.dma_semaphore, #tpu.memory_space<semaphore_mem>>)
        %dma_start3A_513 = arith.constant 7 : i32
        %dma_start3A_514 = arith.constant 392 : i32
        %dma_start3A_515 = arith.constant 0 : i32
        %dma_start3A_516 = tpu.memref_slice %arg7[%dma_start3A_514, %dma_start3A_515] : memref<448x128xf32, #tpu.memory_space<vmem>> -> memref<50x128xf32, #tpu.memory_space<vmem>>
        %dma_start3A_517 = arith.constant 0 : i32
        %dma_start3A_518 = tpu.memref_slice %arg5[%dma_start3A_513, %dma_start3A_517] : memref<8x56xi32, #tpu.memory_space<vmem>> -> memref<1x56xi32, #tpu.memory_space<vmem>>
        %dma_start3A_519 = tpu.memref_squeeze %dma_start3A_518 : memref<1x56xi32, #tpu.memory_space<vmem>> -> memref<56xi32, #tpu.memory_space<vmem>>
        %dma_start3A_520 = arith.constant 0 : i32
        %dma_start3A_521 = tpu.memref_slice %dma_start3A_519[%dma_start3A_520] : memref<56xi32, #tpu.memory_space<vmem>> -> memref<50xi32, #tpu.memory_space<vmem>>
        %dma_start3A_522 = arith.constant 0 : i32
        %dma_start3A_523 = arith.constant 0 : i32
        %dma_start3A_524 = tpu.memref_slice %arg3[%dma_start3A_522, %dma_start3A_523] : memref<1000000x128xf32, #tpu.memory_space<hbm>> -> memref<1000000x128xf32, #tpu.memory_space<hbm>>
        tpu.enqueue_indirect_dma source(%dma_start3A_524 : memref<1000000x128xf32, #tpu.memory_space<hbm>>) target(%dma_start3A_516 : memref<50x128xf32, #tpu.memory_space<vmem>>) offsets(%dma_start3A_521 : memref<50xi32, #tpu.memory_space<vmem>>) semaphore(%arg10 : memref<!tpu.dma_semaphore, #tpu.memory_space<semaphore_mem>>)
      } else {
      }
      %dma_wait3A_270 = arith.constant 0 : i32
      %dma_wait3A_271 = arith.constant 0 : i32
      %dma_wait3A_272 = arith.constant 0 : i32
      %dma_wait3A_273 = tpu.memref_slice %arg8[%dma_wait3A_271, %dma_wait3A_272] : memref<448x128xf32, #tpu.memory_space<vmem>> -> memref<50x128xf32, #tpu.memory_space<vmem>>
      %dma_wait3A_274 = arith.constant 0 : i32
      %dma_wait3A_275 = tpu.memref_slice %arg6[%dma_wait3A_270, %dma_wait3A_274] : memref<8x56xi32, #tpu.memory_space<vmem>> -> memref<1x56xi32, #tpu.memory_space<vmem>>
      %dma_wait3A_276 = tpu.memref_squeeze %dma_wait3A_275 : memref<1x56xi32, #tpu.memory_space<vmem>> -> memref<56xi32, #tpu.memory_space<vmem>>
      %dma_wait3A_277 = arith.constant 0 : i32
      %dma_wait3A_278 = tpu.memref_slice %dma_wait3A_276[%dma_wait3A_277] : memref<56xi32, #tpu.memory_space<vmem>> -> memref<50xi32, #tpu.memory_space<vmem>>
      %dma_wait3A_279 = arith.constant 0 : i32
      %dma_wait3A_280 = arith.constant 0 : i32
      %dma_wait3A_281 = tpu.memref_slice %arg3[%dma_wait3A_279, %dma_wait3A_280] : memref<1000000x128xf32, #tpu.memory_space<hbm>> -> memref<1000000x128xf32, #tpu.memory_space<hbm>>
      tpu.wait_indirect_dma semaphore(%arg11 : memref<!tpu.dma_semaphore, #tpu.memory_space<semaphore_mem>>) src(%dma_wait3A_281 : memref<1000000x128xf32, #tpu.memory_space<hbm>>) dst(%dma_wait3A_273 : memref<50x128xf32, #tpu.memory_space<vmem>>)
      %dma_wait3A_282 = arith.constant 1 : i32
      %dma_wait3A_283 = arith.constant 56 : i32
      %dma_wait3A_284 = arith.constant 0 : i32
      %dma_wait3A_285 = tpu.memref_slice %arg8[%dma_wait3A_283, %dma_wait3A_284] : memref<448x128xf32, #tpu.memory_space<vmem>> -> memref<50x128xf32, #tpu.memory_space<vmem>>
      %dma_wait3A_286 = arith.constant 0 : i32
      %dma_wait3A_287 = tpu.memref_slice %arg6[%dma_wait3A_282, %dma_wait3A_286] : memref<8x56xi32, #tpu.memory_space<vmem>> -> memref<1x56xi32, #tpu.memory_space<vmem>>
      %dma_wait3A_288 = tpu.memref_squeeze %dma_wait3A_287 : memref<1x56xi32, #tpu.memory_space<vmem>> -> memref<56xi32, #tpu.memory_space<vmem>>
      %dma_wait3A_289 = arith.constant 0 : i32
      %dma_wait3A_290 = tpu.memref_slice %dma_wait3A_288[%dma_wait3A_289] : memref<56xi32, #tpu.memory_space<vmem>> -> memref<50xi32, #tpu.memory_space<vmem>>
      %dma_wait3A_291 = arith.constant 0 : i32
      %dma_wait3A_292 = arith.constant 0 : i32
      %dma_wait3A_293 = tpu.memref_slice %arg3[%dma_wait3A_291, %dma_wait3A_292] : memref<1000000x128xf32, #tpu.memory_space<hbm>> -> memref<1000000x128xf32, #tpu.memory_space<hbm>>
      tpu.wait_indirect_dma semaphore(%arg11 : memref<!tpu.dma_semaphore, #tpu.memory_space<semaphore_mem>>) src(%dma_wait3A_293 : memref<1000000x128xf32, #tpu.memory_space<hbm>>) dst(%dma_wait3A_285 : memref<50x128xf32, #tpu.memory_space<vmem>>)
      %dma_wait3A_294 = arith.constant 2 : i32
      %dma_wait3A_295 = arith.constant 112 : i32
      %dma_wait3A_296 = arith.constant 0 : i32
      %dma_wait3A_297 = tpu.memref_slice %arg8[%dma_wait3A_295, %dma_wait3A_296] : memref<448x128xf32, #tpu.memory_space<vmem>> -> memref<50x128xf32, #tpu.memory_space<vmem>>
      %dma_wait3A_298 = arith.constant 0 : i32
      %dma_wait3A_299 = tpu.memref_slice %arg6[%dma_wait3A_294, %dma_wait3A_298] : memref<8x56xi32, #tpu.memory_space<vmem>> -> memref<1x56xi32, #tpu.memory_space<vmem>>
      %dma_wait3A_300 = tpu.memref_squeeze %dma_wait3A_299 : memref<1x56xi32, #tpu.memory_space<vmem>> -> memref<56xi32, #tpu.memory_space<vmem>>
      %dma_wait3A_301 = arith.constant 0 : i32
      %dma_wait3A_302 = tpu.memref_slice %dma_wait3A_300[%dma_wait3A_301] : memref<56xi32, #tpu.memory_space<vmem>> -> memref<50xi32, #tpu.memory_space<vmem>>
      %dma_wait3A_303 = arith.constant 0 : i32
      %dma_wait3A_304 = arith.constant 0 : i32
      %dma_wait3A_305 = tpu.memref_slice %arg3[%dma_wait3A_303, %dma_wait3A_304] : memref<1000000x128xf32, #tpu.memory_space<hbm>> -> memref<1000000x128xf32, #tpu.memory_space<hbm>>
      tpu.wait_indirect_dma semaphore(%arg11 : memref<!tpu.dma_semaphore, #tpu.memory_space<semaphore_mem>>) src(%dma_wait3A_305 : memref<1000000x128xf32, #tpu.memory_space<hbm>>) dst(%dma_wait3A_297 : memref<50x128xf32, #tpu.memory_space<vmem>>)
      %dma_wait3A_306 = arith.constant 3 : i32
      %dma_wait3A_307 = arith.constant 168 : i32
      %dma_wait3A_308 = arith.constant 0 : i32
      %dma_wait3A_309 = tpu.memref_slice %arg8[%dma_wait3A_307, %dma_wait3A_308] : memref<448x128xf32, #tpu.memory_space<vmem>> -> memref<50x128xf32, #tpu.memory_space<vmem>>
      %dma_wait3A_310 = arith.constant 0 : i32
      %dma_wait3A_311 = tpu.memref_slice %arg6[%dma_wait3A_306, %dma_wait3A_310] : memref<8x56xi32, #tpu.memory_space<vmem>> -> memref<1x56xi32, #tpu.memory_space<vmem>>
      %dma_wait3A_312 = tpu.memref_squeeze %dma_wait3A_311 : memref<1x56xi32, #tpu.memory_space<vmem>> -> memref<56xi32, #tpu.memory_space<vmem>>
      %dma_wait3A_313 = arith.constant 0 : i32
      %dma_wait3A_314 = tpu.memref_slice %dma_wait3A_312[%dma_wait3A_313] : memref<56xi32, #tpu.memory_space<vmem>> -> memref<50xi32, #tpu.memory_space<vmem>>
      %dma_wait3A_315 = arith.constant 0 : i32
      %dma_wait3A_316 = arith.constant 0 : i32
      %dma_wait3A_317 = tpu.memref_slice %arg3[%dma_wait3A_315, %dma_wait3A_316] : memref<1000000x128xf32, #tpu.memory_space<hbm>> -> memref<1000000x128xf32, #tpu.memory_space<hbm>>
      tpu.wait_indirect_dma semaphore(%arg11 : memref<!tpu.dma_semaphore, #tpu.memory_space<semaphore_mem>>) src(%dma_wait3A_317 : memref<1000000x128xf32, #tpu.memory_space<hbm>>) dst(%dma_wait3A_309 : memref<50x128xf32, #tpu.memory_space<vmem>>)
      %dma_wait3A_318 = arith.constant 4 : i32
      %dma_wait3A_319 = arith.constant 224 : i32
      %dma_wait3A_320 = arith.constant 0 : i32
      %dma_wait3A_321 = tpu.memref_slice %arg8[%dma_wait3A_319, %dma_wait3A_320] : memref<448x128xf32, #tpu.memory_space<vmem>> -> memref<50x128xf32, #tpu.memory_space<vmem>>
      %dma_wait3A_322 = arith.constant 0 : i32
      %dma_wait3A_323 = tpu.memref_slice %arg6[%dma_wait3A_318, %dma_wait3A_322] : memref<8x56xi32, #tpu.memory_space<vmem>> -> memref<1x56xi32, #tpu.memory_space<vmem>>
      %dma_wait3A_324 = tpu.memref_squeeze %dma_wait3A_323 : memref<1x56xi32, #tpu.memory_space<vmem>> -> memref<56xi32, #tpu.memory_space<vmem>>
      %dma_wait3A_325 = arith.constant 0 : i32
      %dma_wait3A_326 = tpu.memref_slice %dma_wait3A_324[%dma_wait3A_325] : memref<56xi32, #tpu.memory_space<vmem>> -> memref<50xi32, #tpu.memory_space<vmem>>
      %dma_wait3A_327 = arith.constant 0 : i32
      %dma_wait3A_328 = arith.constant 0 : i32
      %dma_wait3A_329 = tpu.memref_slice %arg3[%dma_wait3A_327, %dma_wait3A_328] : memref<1000000x128xf32, #tpu.memory_space<hbm>> -> memref<1000000x128xf32, #tpu.memory_space<hbm>>
      tpu.wait_indirect_dma semaphore(%arg11 : memref<!tpu.dma_semaphore, #tpu.memory_space<semaphore_mem>>) src(%dma_wait3A_329 : memref<1000000x128xf32, #tpu.memory_space<hbm>>) dst(%dma_wait3A_321 : memref<50x128xf32, #tpu.memory_space<vmem>>)
      %dma_wait3A_330 = arith.constant 5 : i32
      %dma_wait3A_331 = arith.constant 280 : i32
      %dma_wait3A_332 = arith.constant 0 : i32
      %dma_wait3A_333 = tpu.memref_slice %arg8[%dma_wait3A_331, %dma_wait3A_332] : memref<448x128xf32, #tpu.memory_space<vmem>> -> memref<50x128xf32, #tpu.memory_space<vmem>>
      %dma_wait3A_334 = arith.constant 0 : i32
      %dma_wait3A_335 = tpu.memref_slice %arg6[%dma_wait3A_330, %dma_wait3A_334] : memref<8x56xi32, #tpu.memory_space<vmem>> -> memref<1x56xi32, #tpu.memory_space<vmem>>
      %dma_wait3A_336 = tpu.memref_squeeze %dma_wait3A_335 : memref<1x56xi32, #tpu.memory_space<vmem>> -> memref<56xi32, #tpu.memory_space<vmem>>
      %dma_wait3A_337 = arith.constant 0 : i32
      %dma_wait3A_338 = tpu.memref_slice %dma_wait3A_336[%dma_wait3A_337] : memref<56xi32, #tpu.memory_space<vmem>> -> memref<50xi32, #tpu.memory_space<vmem>>
      %dma_wait3A_339 = arith.constant 0 : i32
      %dma_wait3A_340 = arith.constant 0 : i32
      %dma_wait3A_341 = tpu.memref_slice %arg3[%dma_wait3A_339, %dma_wait3A_340] : memref<1000000x128xf32, #tpu.memory_space<hbm>> -> memref<1000000x128xf32, #tpu.memory_space<hbm>>
      tpu.wait_indirect_dma semaphore(%arg11 : memref<!tpu.dma_semaphore, #tpu.memory_space<semaphore_mem>>) src(%dma_wait3A_341 : memref<1000000x128xf32, #tpu.memory_space<hbm>>) dst(%dma_wait3A_333 : memref<50x128xf32, #tpu.memory_space<vmem>>)
      %dma_wait3A_342 = arith.constant 6 : i32
      %dma_wait3A_343 = arith.constant 336 : i32
      %dma_wait3A_344 = arith.constant 0 : i32
      %dma_wait3A_345 = tpu.memref_slice %arg8[%dma_wait3A_343, %dma_wait3A_344] : memref<448x128xf32, #tpu.memory_space<vmem>> -> memref<50x128xf32, #tpu.memory_space<vmem>>
      %dma_wait3A_346 = arith.constant 0 : i32
      %dma_wait3A_347 = tpu.memref_slice %arg6[%dma_wait3A_342, %dma_wait3A_346] : memref<8x56xi32, #tpu.memory_space<vmem>> -> memref<1x56xi32, #tpu.memory_space<vmem>>
      %dma_wait3A_348 = tpu.memref_squeeze %dma_wait3A_347 : memref<1x56xi32, #tpu.memory_space<vmem>> -> memref<56xi32, #tpu.memory_space<vmem>>
      %dma_wait3A_349 = arith.constant 0 : i32
      %dma_wait3A_350 = tpu.memref_slice %dma_wait3A_348[%dma_wait3A_349] : memref<56xi32, #tpu.memory_space<vmem>> -> memref<50xi32, #tpu.memory_space<vmem>>
      %dma_wait3A_351 = arith.constant 0 : i32
      %dma_wait3A_352 = arith.constant 0 : i32
      %dma_wait3A_353 = tpu.memref_slice %arg3[%dma_wait3A_351, %dma_wait3A_352] : memref<1000000x128xf32, #tpu.memory_space<hbm>> -> memref<1000000x128xf32, #tpu.memory_space<hbm>>
      tpu.wait_indirect_dma semaphore(%arg11 : memref<!tpu.dma_semaphore, #tpu.memory_space<semaphore_mem>>) src(%dma_wait3A_353 : memref<1000000x128xf32, #tpu.memory_space<hbm>>) dst(%dma_wait3A_345 : memref<50x128xf32, #tpu.memory_space<vmem>>)
      %dma_wait3A_354 = arith.constant 7 : i32
      %dma_wait3A_355 = arith.constant 392 : i32
      %dma_wait3A_356 = arith.constant 0 : i32
      %dma_wait3A_357 = tpu.memref_slice %arg8[%dma_wait3A_355, %dma_wait3A_356] : memref<448x128xf32, #tpu.memory_space<vmem>> -> memref<50x128xf32, #tpu.memory_space<vmem>>
      %dma_wait3A_358 = arith.constant 0 : i32
      %dma_wait3A_359 = tpu.memref_slice %arg6[%dma_wait3A_354, %dma_wait3A_358] : memref<8x56xi32, #tpu.memory_space<vmem>> -> memref<1x56xi32, #tpu.memory_space<vmem>>
      %dma_wait3A_360 = tpu.memref_squeeze %dma_wait3A_359 : memref<1x56xi32, #tpu.memory_space<vmem>> -> memref<56xi32, #tpu.memory_space<vmem>>
      %dma_wait3A_361 = arith.constant 0 : i32
      %dma_wait3A_362 = tpu.memref_slice %dma_wait3A_360[%dma_wait3A_361] : memref<56xi32, #tpu.memory_space<vmem>> -> memref<50xi32, #tpu.memory_space<vmem>>
      %dma_wait3A_363 = arith.constant 0 : i32
      %dma_wait3A_364 = arith.constant 0 : i32
      %dma_wait3A_365 = tpu.memref_slice %arg3[%dma_wait3A_363, %dma_wait3A_364] : memref<1000000x128xf32, #tpu.memory_space<hbm>> -> memref<1000000x128xf32, #tpu.memory_space<hbm>>
      tpu.wait_indirect_dma semaphore(%arg11 : memref<!tpu.dma_semaphore, #tpu.memory_space<semaphore_mem>>) src(%dma_wait3A_365 : memref<1000000x128xf32, #tpu.memory_space<hbm>>) dst(%dma_wait3A_357 : memref<50x128xf32, #tpu.memory_space<vmem>>)
      %add3A_366 = arith.constant 2 : i32
      %add3A_367 = arith.addi %add3A_262, %add3A_366 : i32
      %lt3A_368 = arith.constant 128 : i32
      %lt3A_369 = arith.cmpi slt, %add3A_367, %lt3A_368 : i32
      %convert_element_type3A_370 = arith.extui %lt3A_369 : i1 to i32
      %cond3A_371 = arith.constant 0 : i32
      %cond3A_372 = arith.cmpi ne, %convert_element_type3A_370, %cond3A_371 : i32
      scf.if %cond3A_372 {
        %add3A_420 = arith.constant 2 : i32
        %add3A_421 = arith.addi %add3A_262, %add3A_420 : i32
        %mul3A_422 = arith.constant 8 : i32
        %mul3A_423 = arith.muli %add3A_421, %mul3A_422 : i32
        %add3A_424 = arith.addi %mul3A_2, %mul3A_423 : i32
        %dma_start3A_425 = arith.constant 0 : i32
        %dma_start3A_426 = tpu.memref_slice %arg2[%add3A_424, %dma_start3A_425] : memref<32768x56xi32, #tpu.memory_space<hbm>> -> memref<8x56xi32, #tpu.memory_space<hbm>>
        %dma_start3A_427 = arith.constant 0 : i32
        %dma_start3A_428 = tpu.memref_slice %arg2[%add3A_424, %dma_start3A_427] : memref<32768x56xi32, #tpu.memory_space<hbm>> -> memref<8x56xi32, #tpu.memory_space<hbm>>
        tpu.enqueue_dma source(%dma_start3A_428 : memref<8x56xi32, #tpu.memory_space<hbm>>) target(%arg6 : memref<8x56xi32, #tpu.memory_space<vmem>>) target_semaphore(%arg13 : memref<!tpu.dma_semaphore, #tpu.memory_space<semaphore_mem>>)
      } else {
      }
      %jit3A_373 = arith.constant 8 : i32
      %eq3A_374 = arith.constant 0 : i32
      %eq3A_375 = arith.cmpi eq, %jit3A_373, %eq3A_374 : i32
      %jit3A_376 = arith.constant 1 : i32
      %select_n3A_377 = arith.select %eq3A_375, %jit3A_376, %jit3A_373 : i32
      %rem3A_378 = arith.remsi %add3A_262, %select_n3A_377 : i32
      %ne3A_379 = arith.constant 0 : i32
      %ne3A_380 = arith.cmpi ne, %rem3A_378, %ne3A_379 : i32
      %lt3A_381 = arith.constant 0 : i32
      %lt3A_382 = arith.cmpi slt, %rem3A_378, %lt3A_381 : i32
      %lt3A_383 = arith.constant 0 : i32
      %lt3A_384 = arith.cmpi slt, %select_n3A_377, %lt3A_383 : i32
      %ne3A_385 = arith.xori %lt3A_382, %lt3A_384 : i1
      %and3A_386 = arith.andi %ne3A_385, %ne3A_380 : i1
      %add3A_387 = arith.addi %rem3A_378, %select_n3A_377 : i32
      %select_n3A_388 = arith.select %and3A_386, %add3A_387, %rem3A_378 : i32
      %mul3A_389 = arith.constant 8 : i32
      %mul3A_390 = arith.muli %select_n3A_388, %mul3A_389 : i32
      %scan3A_391 = arith.constant 0 : i32
      %scan3A_392 = arith.constant 0 : i32
      %scan3A_393 = arith.constant 8 : i32
      %scan3A_394 = arith.addi %scan3A_392, %scan3A_393 : i32
      %scan3A_395 = arith.constant 1 : i32
      scf.for %scan3A_420 = %scan3A_392 to %scan3A_394 step %scan3A_395  : i32 {
        %broadcast_in_dim3A = arith.constant 0.000000e+00 : f32
        %broadcast_in_dim3A_421 = vector.broadcast %broadcast_in_dim3A : f32 to vector<16xf32>
        %broadcast_in_dim3A_422 = arith.constant 0.000000e+00 : f32
        %broadcast_in_dim3A_423 = vector.broadcast %broadcast_in_dim3A_422 : f32 to vector<16xf32>
        %broadcast_in_dim3A_424 = arith.constant 0.000000e+00 : f32
        %broadcast_in_dim3A_425 = vector.broadcast %broadcast_in_dim3A_424 : f32 to vector<16xf32>
        %broadcast_in_dim3A_426 = arith.constant 0.000000e+00 : f32
        %broadcast_in_dim3A_427 = vector.broadcast %broadcast_in_dim3A_426 : f32 to vector<16xf32>
        %broadcast_in_dim3A_428 = arith.constant 0.000000e+00 : f32
        %broadcast_in_dim3A_429 = vector.broadcast %broadcast_in_dim3A_428 : f32 to vector<16xf32>
        %broadcast_in_dim3A_430 = arith.constant 0.000000e+00 : f32
        %broadcast_in_dim3A_431 = vector.broadcast %broadcast_in_dim3A_430 : f32 to vector<16xf32>
        %broadcast_in_dim3A_432 = arith.constant 0.000000e+00 : f32
        %broadcast_in_dim3A_433 = vector.broadcast %broadcast_in_dim3A_432 : f32 to vector<16xf32>
        %broadcast_in_dim3A_434 = arith.constant 0.000000e+00 : f32
        %broadcast_in_dim3A_435 = vector.broadcast %broadcast_in_dim3A_434 : f32 to vector<16xf32>
        %scan3A_436 = arith.constant 0 : i32
        %scan3A_437 = arith.constant 10 : i32
        %scan3A_438 = arith.addi %scan3A_436, %scan3A_437 : i32
        %scan3A_439 = arith.constant 1 : i32
        %scan3A_440:8 = scf.for %scan3A_489 = %scan3A_436 to %scan3A_438 step %scan3A_439 iter_args(%scan3A_490 = %broadcast_in_dim3A_421, %scan3A_491 = %broadcast_in_dim3A_423, %scan3A_492 = %broadcast_in_dim3A_425, %scan3A_493 = %broadcast_in_dim3A_427, %scan3A_494 = %broadcast_in_dim3A_429, %scan3A_495 = %broadcast_in_dim3A_431, %scan3A_496 = %broadcast_in_dim3A_433, %scan3A_497 = %broadcast_in_dim3A_435) -> (vector<16xf32>, vector<16xf32>, vector<16xf32>, vector<16xf32>, vector<16xf32>, vector<16xf32>, vector<16xf32>, vector<16xf32>)  : i32 {
          %mul3A_498 = arith.constant 56 : i32
          %mul3A_499 = arith.muli %scan3A_420, %mul3A_498 : i32
          %mul3A_500 = arith.constant 5 : i32
          %mul3A_501 = arith.muli %mul3A_500, %scan3A_489 : i32
          %add3A_502 = arith.addi %mul3A_499, %mul3A_501 : i32
          %add3A_503 = arith.constant 0 : i32
          %add3A_504 = arith.addi %add3A_502, %add3A_503 : i32
          %get3A = arith.index_cast %add3A_504 : i32 to index
          %get3A_505 = arith.constant 0 : index
          %get3A_506 = tpu.vector_load %arg8[%get3A, %get3A_505] {strides = array<i32>} : memref<448x128xf32, #tpu.memory_space<vmem>>, vector<1x16xf32>,
          %get3A_507 = vector.shape_cast %get3A_506 : vector<1x16xf32> to vector<16xf32>
          %add3A_508 = arith.addf %scan3A_490, %get3A_507 : vector<16xf32>
          %add3A_509 = arith.constant 0 : i32
          %add3A_510 = arith.addi %add3A_502, %add3A_509 : i32
          %get3A_511 = arith.index_cast %add3A_510 : i32 to index
          %get3A_512 = arith.constant 16 : index
          %get3A_513 = tpu.vector_load %arg8[%get3A_511, %get3A_512] {strides = array<i32>} : memref<448x128xf32, #tpu.memory_space<vmem>>, vector<1x16xf32>,
          %get3A_514 = vector.shape_cast %get3A_513 : vector<1x16xf32> to vector<16xf32>
          %add3A_515 = arith.addf %scan3A_491, %get3A_514 : vector<16xf32>
          %add3A_516 = arith.constant 0 : i32
          %add3A_517 = arith.addi %add3A_502, %add3A_516 : i32
          %get3A_518 = arith.index_cast %add3A_517 : i32 to index
          %get3A_519 = arith.constant 32 : index
          %get3A_520 = tpu.vector_load %arg8[%get3A_518, %get3A_519] {strides = array<i32>} : memref<448x128xf32, #tpu.memory_space<vmem>>, vector<1x16xf32>,
          %get3A_521 = vector.shape_cast %get3A_520 : vector<1x16xf32> to vector<16xf32>
          %add3A_522 = arith.addf %scan3A_492, %get3A_521 : vector<16xf32>
          %add3A_523 = arith.constant 0 : i32
          %add3A_524 = arith.addi %add3A_502, %add3A_523 : i32
          %get3A_525 = arith.index_cast %add3A_524 : i32 to index
          %get3A_526 = arith.constant 48 : index
          %get3A_527 = tpu.vector_load %arg8[%get3A_525, %get3A_526] {strides = array<i32>} : memref<448x128xf32, #tpu.memory_space<vmem>>, vector<1x16xf32>,
          %get3A_528 = vector.shape_cast %get3A_527 : vector<1x16xf32> to vector<16xf32>
          %add3A_529 = arith.addf %scan3A_493, %get3A_528 : vector<16xf32>
          %add3A_530 = arith.constant 0 : i32
          %add3A_531 = arith.addi %add3A_502, %add3A_530 : i32
          %get3A_532 = arith.index_cast %add3A_531 : i32 to index
          %get3A_533 = arith.constant 64 : index
          %get3A_534 = tpu.vector_load %arg8[%get3A_532, %get3A_533] {strides = array<i32>} : memref<448x128xf32, #tpu.memory_space<vmem>>, vector<1x16xf32>,
          %get3A_535 = vector.shape_cast %get3A_534 : vector<1x16xf32> to vector<16xf32>
          %add3A_536 = arith.addf %scan3A_494, %get3A_535 : vector<16xf32>
          %add3A_537 = arith.constant 0 : i32
          %add3A_538 = arith.addi %add3A_502, %add3A_537 : i32
          %get3A_539 = arith.index_cast %add3A_538 : i32 to index
          %get3A_540 = arith.constant 80 : index
          %get3A_541 = tpu.vector_load %arg8[%get3A_539, %get3A_540] {strides = array<i32>} : memref<448x128xf32, #tpu.memory_space<vmem>>, vector<1x16xf32>,
          %get3A_542 = vector.shape_cast %get3A_541 : vector<1x16xf32> to vector<16xf32>
          %add3A_543 = arith.addf %scan3A_495, %get3A_542 : vector<16xf32>
          %add3A_544 = arith.constant 0 : i32
          %add3A_545 = arith.addi %add3A_502, %add3A_544 : i32
          %get3A_546 = arith.index_cast %add3A_545 : i32 to index
          %get3A_547 = arith.constant 96 : index
          %get3A_548 = tpu.vector_load %arg8[%get3A_546, %get3A_547] {strides = array<i32>} : memref<448x128xf32, #tpu.memory_space<vmem>>, vector<1x16xf32>,
          %get3A_549 = vector.shape_cast %get3A_548 : vector<1x16xf32> to vector<16xf32>
          %add3A_550 = arith.addf %scan3A_496, %get3A_549 : vector<16xf32>
          %add3A_551 = arith.constant 0 : i32
          %add3A_552 = arith.addi %add3A_502, %add3A_551 : i32
          %get3A_553 = arith.index_cast %add3A_552 : i32 to index
          %get3A_554 = arith.constant 112 : index
          %get3A_555 = tpu.vector_load %arg8[%get3A_553, %get3A_554] {strides = array<i32>} : memref<448x128xf32, #tpu.memory_space<vmem>>, vector<1x16xf32>,
          %get3A_556 = vector.shape_cast %get3A_555 : vector<1x16xf32> to vector<16xf32>
          %add3A_557 = arith.addf %scan3A_497, %get3A_556 : vector<16xf32>
          %add3A_558 = arith.constant 1 : i32
          %add3A_559 = arith.addi %add3A_502, %add3A_558 : i32
          %get3A_560 = arith.index_cast %add3A_559 : i32 to index
          %get3A_561 = arith.constant 0 : index
          %get3A_562 = tpu.vector_load %arg8[%get3A_560, %get3A_561] {strides = array<i32>} : memref<448x128xf32, #tpu.memory_space<vmem>>, vector<1x16xf32>,
          %get3A_563 = vector.shape_cast %get3A_562 : vector<1x16xf32> to vector<16xf32>
          %add3A_564 = arith.addf %add3A_508, %get3A_563 : vector<16xf32>
          %add3A_565 = arith.constant 1 : i32
          %add3A_566 = arith.addi %add3A_502, %add3A_565 : i32
          %get3A_567 = arith.index_cast %add3A_566 : i32 to index
          %get3A_568 = arith.constant 16 : index
          %get3A_569 = tpu.vector_load %arg8[%get3A_567, %get3A_568] {strides = array<i32>} : memref<448x128xf32, #tpu.memory_space<vmem>>, vector<1x16xf32>,
          %get3A_570 = vector.shape_cast %get3A_569 : vector<1x16xf32> to vector<16xf32>
          %add3A_571 = arith.addf %add3A_515, %get3A_570 : vector<16xf32>
          %add3A_572 = arith.constant 1 : i32
          %add3A_573 = arith.addi %add3A_502, %add3A_572 : i32
          %get3A_574 = arith.index_cast %add3A_573 : i32 to index
          %get3A_575 = arith.constant 32 : index
          %get3A_576 = tpu.vector_load %arg8[%get3A_574, %get3A_575] {strides = array<i32>} : memref<448x128xf32, #tpu.memory_space<vmem>>, vector<1x16xf32>,
          %get3A_577 = vector.shape_cast %get3A_576 : vector<1x16xf32> to vector<16xf32>
          %add3A_578 = arith.addf %add3A_522, %get3A_577 : vector<16xf32>
          %add3A_579 = arith.constant 1 : i32
          %add3A_580 = arith.addi %add3A_502, %add3A_579 : i32
          %get3A_581 = arith.index_cast %add3A_580 : i32 to index
          %get3A_582 = arith.constant 48 : index
          %get3A_583 = tpu.vector_load %arg8[%get3A_581, %get3A_582] {strides = array<i32>} : memref<448x128xf32, #tpu.memory_space<vmem>>, vector<1x16xf32>,
          %get3A_584 = vector.shape_cast %get3A_583 : vector<1x16xf32> to vector<16xf32>
          %add3A_585 = arith.addf %add3A_529, %get3A_584 : vector<16xf32>
          %add3A_586 = arith.constant 1 : i32
          %add3A_587 = arith.addi %add3A_502, %add3A_586 : i32
          %get3A_588 = arith.index_cast %add3A_587 : i32 to index
          %get3A_589 = arith.constant 64 : index
          %get3A_590 = tpu.vector_load %arg8[%get3A_588, %get3A_589] {strides = array<i32>} : memref<448x128xf32, #tpu.memory_space<vmem>>, vector<1x16xf32>,
          %get3A_591 = vector.shape_cast %get3A_590 : vector<1x16xf32> to vector<16xf32>
          %add3A_592 = arith.addf %add3A_536, %get3A_591 : vector<16xf32>
          %add3A_593 = arith.constant 1 : i32
          %add3A_594 = arith.addi %add3A_502, %add3A_593 : i32
          %get3A_595 = arith.index_cast %add3A_594 : i32 to index
          %get3A_596 = arith.constant 80 : index
          %get3A_597 = tpu.vector_load %arg8[%get3A_595, %get3A_596] {strides = array<i32>} : memref<448x128xf32, #tpu.memory_space<vmem>>, vector<1x16xf32>,
          %get3A_598 = vector.shape_cast %get3A_597 : vector<1x16xf32> to vector<16xf32>
          %add3A_599 = arith.addf %add3A_543, %get3A_598 : vector<16xf32>
          %add3A_600 = arith.constant 1 : i32
          %add3A_601 = arith.addi %add3A_502, %add3A_600 : i32
          %get3A_602 = arith.index_cast %add3A_601 : i32 to index
          %get3A_603 = arith.constant 96 : index
          %get3A_604 = tpu.vector_load %arg8[%get3A_602, %get3A_603] {strides = array<i32>} : memref<448x128xf32, #tpu.memory_space<vmem>>, vector<1x16xf32>,
          %get3A_605 = vector.shape_cast %get3A_604 : vector<1x16xf32> to vector<16xf32>
          %add3A_606 = arith.addf %add3A_550, %get3A_605 : vector<16xf32>
          %add3A_607 = arith.constant 1 : i32
          %add3A_608 = arith.addi %add3A_502, %add3A_607 : i32
          %get3A_609 = arith.index_cast %add3A_608 : i32 to index
          %get3A_610 = arith.constant 112 : index
          %get3A_611 = tpu.vector_load %arg8[%get3A_609, %get3A_610] {strides = array<i32>} : memref<448x128xf32, #tpu.memory_space<vmem>>, vector<1x16xf32>,
          %get3A_612 = vector.shape_cast %get3A_611 : vector<1x16xf32> to vector<16xf32>
          %add3A_613 = arith.addf %add3A_557, %get3A_612 : vector<16xf32>
          %add3A_614 = arith.constant 2 : i32
          %add3A_615 = arith.addi %add3A_502, %add3A_614 : i32
          %get3A_616 = arith.index_cast %add3A_615 : i32 to index
          %get3A_617 = arith.constant 0 : index
          %get3A_618 = tpu.vector_load %arg8[%get3A_616, %get3A_617] {strides = array<i32>} : memref<448x128xf32, #tpu.memory_space<vmem>>, vector<1x16xf32>,
          %get3A_619 = vector.shape_cast %get3A_618 : vector<1x16xf32> to vector<16xf32>
          %add3A_620 = arith.addf %add3A_564, %get3A_619 : vector<16xf32>
          %add3A_621 = arith.constant 2 : i32
          %add3A_622 = arith.addi %add3A_502, %add3A_621 : i32
          %get3A_623 = arith.index_cast %add3A_622 : i32 to index
          %get3A_624 = arith.constant 16 : index
          %get3A_625 = tpu.vector_load %arg8[%get3A_623, %get3A_624] {strides = array<i32>} : memref<448x128xf32, #tpu.memory_space<vmem>>, vector<1x16xf32>,
          %get3A_626 = vector.shape_cast %get3A_625 : vector<1x16xf32> to vector<16xf32>
          %add3A_627 = arith.addf %add3A_571, %get3A_626 : vector<16xf32>
          %add3A_628 = arith.constant 2 : i32
          %add3A_629 = arith.addi %add3A_502, %add3A_628 : i32
          %get3A_630 = arith.index_cast %add3A_629 : i32 to index
          %get3A_631 = arith.constant 32 : index
          %get3A_632 = tpu.vector_load %arg8[%get3A_630, %get3A_631] {strides = array<i32>} : memref<448x128xf32, #tpu.memory_space<vmem>>, vector<1x16xf32>,
          %get3A_633 = vector.shape_cast %get3A_632 : vector<1x16xf32> to vector<16xf32>
          %add3A_634 = arith.addf %add3A_578, %get3A_633 : vector<16xf32>
          %add3A_635 = arith.constant 2 : i32
          %add3A_636 = arith.addi %add3A_502, %add3A_635 : i32
          %get3A_637 = arith.index_cast %add3A_636 : i32 to index
          %get3A_638 = arith.constant 48 : index
          %get3A_639 = tpu.vector_load %arg8[%get3A_637, %get3A_638] {strides = array<i32>} : memref<448x128xf32, #tpu.memory_space<vmem>>, vector<1x16xf32>,
          %get3A_640 = vector.shape_cast %get3A_639 : vector<1x16xf32> to vector<16xf32>
          %add3A_641 = arith.addf %add3A_585, %get3A_640 : vector<16xf32>
          %add3A_642 = arith.constant 2 : i32
          %add3A_643 = arith.addi %add3A_502, %add3A_642 : i32
          %get3A_644 = arith.index_cast %add3A_643 : i32 to index
          %get3A_645 = arith.constant 64 : index
          %get3A_646 = tpu.vector_load %arg8[%get3A_644, %get3A_645] {strides = array<i32>} : memref<448x128xf32, #tpu.memory_space<vmem>>, vector<1x16xf32>,
          %get3A_647 = vector.shape_cast %get3A_646 : vector<1x16xf32> to vector<16xf32>
          %add3A_648 = arith.addf %add3A_592, %get3A_647 : vector<16xf32>
          %add3A_649 = arith.constant 2 : i32
          %add3A_650 = arith.addi %add3A_502, %add3A_649 : i32
          %get3A_651 = arith.index_cast %add3A_650 : i32 to index
          %get3A_652 = arith.constant 80 : index
          %get3A_653 = tpu.vector_load %arg8[%get3A_651, %get3A_652] {strides = array<i32>} : memref<448x128xf32, #tpu.memory_space<vmem>>, vector<1x16xf32>,
          %get3A_654 = vector.shape_cast %get3A_653 : vector<1x16xf32> to vector<16xf32>
          %add3A_655 = arith.addf %add3A_599, %get3A_654 : vector<16xf32>
          %add3A_656 = arith.constant 2 : i32
          %add3A_657 = arith.addi %add3A_502, %add3A_656 : i32
          %get3A_658 = arith.index_cast %add3A_657 : i32 to index
          %get3A_659 = arith.constant 96 : index
          %get3A_660 = tpu.vector_load %arg8[%get3A_658, %get3A_659] {strides = array<i32>} : memref<448x128xf32, #tpu.memory_space<vmem>>, vector<1x16xf32>,
          %get3A_661 = vector.shape_cast %get3A_660 : vector<1x16xf32> to vector<16xf32>
          %add3A_662 = arith.addf %add3A_606, %get3A_661 : vector<16xf32>
          %add3A_663 = arith.constant 2 : i32
          %add3A_664 = arith.addi %add3A_502, %add3A_663 : i32
          %get3A_665 = arith.index_cast %add3A_664 : i32 to index
          %get3A_666 = arith.constant 112 : index
          %get3A_667 = tpu.vector_load %arg8[%get3A_665, %get3A_666] {strides = array<i32>} : memref<448x128xf32, #tpu.memory_space<vmem>>, vector<1x16xf32>,
          %get3A_668 = vector.shape_cast %get3A_667 : vector<1x16xf32> to vector<16xf32>
          %add3A_669 = arith.addf %add3A_613, %get3A_668 : vector<16xf32>
          %add3A_670 = arith.constant 3 : i32
          %add3A_671 = arith.addi %add3A_502, %add3A_670 : i32
          %get3A_672 = arith.index_cast %add3A_671 : i32 to index
          %get3A_673 = arith.constant 0 : index
          %get3A_674 = tpu.vector_load %arg8[%get3A_672, %get3A_673] {strides = array<i32>} : memref<448x128xf32, #tpu.memory_space<vmem>>, vector<1x16xf32>,
          %get3A_675 = vector.shape_cast %get3A_674 : vector<1x16xf32> to vector<16xf32>
          %add3A_676 = arith.addf %add3A_620, %get3A_675 : vector<16xf32>
          %add3A_677 = arith.constant 3 : i32
          %add3A_678 = arith.addi %add3A_502, %add3A_677 : i32
          %get3A_679 = arith.index_cast %add3A_678 : i32 to index
          %get3A_680 = arith.constant 16 : index
          %get3A_681 = tpu.vector_load %arg8[%get3A_679, %get3A_680] {strides = array<i32>} : memref<448x128xf32, #tpu.memory_space<vmem>>, vector<1x16xf32>,
          %get3A_682 = vector.shape_cast %get3A_681 : vector<1x16xf32> to vector<16xf32>
          %add3A_683 = arith.addf %add3A_627, %get3A_682 : vector<16xf32>
          %add3A_684 = arith.constant 3 : i32
          %add3A_685 = arith.addi %add3A_502, %add3A_684 : i32
          %get3A_686 = arith.index_cast %add3A_685 : i32 to index
          %get3A_687 = arith.constant 32 : index
          %get3A_688 = tpu.vector_load %arg8[%get3A_686, %get3A_687] {strides = array<i32>} : memref<448x128xf32, #tpu.memory_space<vmem>>, vector<1x16xf32>,
          %get3A_689 = vector.shape_cast %get3A_688 : vector<1x16xf32> to vector<16xf32>
          %add3A_690 = arith.addf %add3A_634, %get3A_689 : vector<16xf32>
          %add3A_691 = arith.constant 3 : i32
          %add3A_692 = arith.addi %add3A_502, %add3A_691 : i32
          %get3A_693 = arith.index_cast %add3A_692 : i32 to index
          %get3A_694 = arith.constant 48 : index
          %get3A_695 = tpu.vector_load %arg8[%get3A_693, %get3A_694] {strides = array<i32>} : memref<448x128xf32, #tpu.memory_space<vmem>>, vector<1x16xf32>,
          %get3A_696 = vector.shape_cast %get3A_695 : vector<1x16xf32> to vector<16xf32>
          %add3A_697 = arith.addf %add3A_641, %get3A_696 : vector<16xf32>
          %add3A_698 = arith.constant 3 : i32
          %add3A_699 = arith.addi %add3A_502, %add3A_698 : i32
          %get3A_700 = arith.index_cast %add3A_699 : i32 to index
          %get3A_701 = arith.constant 64 : index
          %get3A_702 = tpu.vector_load %arg8[%get3A_700, %get3A_701] {strides = array<i32>} : memref<448x128xf32, #tpu.memory_space<vmem>>, vector<1x16xf32>,
          %get3A_703 = vector.shape_cast %get3A_702 : vector<1x16xf32> to vector<16xf32>
          %add3A_704 = arith.addf %add3A_648, %get3A_703 : vector<16xf32>
          %add3A_705 = arith.constant 3 : i32
          %add3A_706 = arith.addi %add3A_502, %add3A_705 : i32
          %get3A_707 = arith.index_cast %add3A_706 : i32 to index
          %get3A_708 = arith.constant 80 : index
          %get3A_709 = tpu.vector_load %arg8[%get3A_707, %get3A_708] {strides = array<i32>} : memref<448x128xf32, #tpu.memory_space<vmem>>, vector<1x16xf32>,
          %get3A_710 = vector.shape_cast %get3A_709 : vector<1x16xf32> to vector<16xf32>
          %add3A_711 = arith.addf %add3A_655, %get3A_710 : vector<16xf32>
          %add3A_712 = arith.constant 3 : i32
          %add3A_713 = arith.addi %add3A_502, %add3A_712 : i32
          %get3A_714 = arith.index_cast %add3A_713 : i32 to index
          %get3A_715 = arith.constant 96 : index
          %get3A_716 = tpu.vector_load %arg8[%get3A_714, %get3A_715] {strides = array<i32>} : memref<448x128xf32, #tpu.memory_space<vmem>>, vector<1x16xf32>,
          %get3A_717 = vector.shape_cast %get3A_716 : vector<1x16xf32> to vector<16xf32>
          %add3A_718 = arith.addf %add3A_662, %get3A_717 : vector<16xf32>
          %add3A_719 = arith.constant 3 : i32
          %add3A_720 = arith.addi %add3A_502, %add3A_719 : i32
          %get3A_721 = arith.index_cast %add3A_720 : i32 to index
          %get3A_722 = arith.constant 112 : index
          %get3A_723 = tpu.vector_load %arg8[%get3A_721, %get3A_722] {strides = array<i32>} : memref<448x128xf32, #tpu.memory_space<vmem>>, vector<1x16xf32>,
          %get3A_724 = vector.shape_cast %get3A_723 : vector<1x16xf32> to vector<16xf32>
          %add3A_725 = arith.addf %add3A_669, %get3A_724 : vector<16xf32>
          %add3A_726 = arith.constant 4 : i32
          %add3A_727 = arith.addi %add3A_502, %add3A_726 : i32
          %get3A_728 = arith.index_cast %add3A_727 : i32 to index
          %get3A_729 = arith.constant 0 : index
          %get3A_730 = tpu.vector_load %arg8[%get3A_728, %get3A_729] {strides = array<i32>} : memref<448x128xf32, #tpu.memory_space<vmem>>, vector<1x16xf32>,
          %get3A_731 = vector.shape_cast %get3A_730 : vector<1x16xf32> to vector<16xf32>
          %add3A_732 = arith.addf %add3A_676, %get3A_731 : vector<16xf32>
          %add3A_733 = arith.constant 4 : i32
          %add3A_734 = arith.addi %add3A_502, %add3A_733 : i32
          %get3A_735 = arith.index_cast %add3A_734 : i32 to index
          %get3A_736 = arith.constant 16 : index
          %get3A_737 = tpu.vector_load %arg8[%get3A_735, %get3A_736] {strides = array<i32>} : memref<448x128xf32, #tpu.memory_space<vmem>>, vector<1x16xf32>,
          %get3A_738 = vector.shape_cast %get3A_737 : vector<1x16xf32> to vector<16xf32>
          %add3A_739 = arith.addf %add3A_683, %get3A_738 : vector<16xf32>
          %add3A_740 = arith.constant 4 : i32
          %add3A_741 = arith.addi %add3A_502, %add3A_740 : i32
          %get3A_742 = arith.index_cast %add3A_741 : i32 to index
          %get3A_743 = arith.constant 32 : index
          %get3A_744 = tpu.vector_load %arg8[%get3A_742, %get3A_743] {strides = array<i32>} : memref<448x128xf32, #tpu.memory_space<vmem>>, vector<1x16xf32>,
          %get3A_745 = vector.shape_cast %get3A_744 : vector<1x16xf32> to vector<16xf32>
          %add3A_746 = arith.addf %add3A_690, %get3A_745 : vector<16xf32>
          %add3A_747 = arith.constant 4 : i32
          %add3A_748 = arith.addi %add3A_502, %add3A_747 : i32
          %get3A_749 = arith.index_cast %add3A_748 : i32 to index
          %get3A_750 = arith.constant 48 : index
          %get3A_751 = tpu.vector_load %arg8[%get3A_749, %get3A_750] {strides = array<i32>} : memref<448x128xf32, #tpu.memory_space<vmem>>, vector<1x16xf32>,
          %get3A_752 = vector.shape_cast %get3A_751 : vector<1x16xf32> to vector<16xf32>
          %add3A_753 = arith.addf %add3A_697, %get3A_752 : vector<16xf32>
          %add3A_754 = arith.constant 4 : i32
          %add3A_755 = arith.addi %add3A_502, %add3A_754 : i32
          %get3A_756 = arith.index_cast %add3A_755 : i32 to index
          %get3A_757 = arith.constant 64 : index
          %get3A_758 = tpu.vector_load %arg8[%get3A_756, %get3A_757] {strides = array<i32>} : memref<448x128xf32, #tpu.memory_space<vmem>>, vector<1x16xf32>,
          %get3A_759 = vector.shape_cast %get3A_758 : vector<1x16xf32> to vector<16xf32>
          %add3A_760 = arith.addf %add3A_704, %get3A_759 : vector<16xf32>
          %add3A_761 = arith.constant 4 : i32
          %add3A_762 = arith.addi %add3A_502, %add3A_761 : i32
          %get3A_763 = arith.index_cast %add3A_762 : i32 to index
          %get3A_764 = arith.constant 80 : index
          %get3A_765 = tpu.vector_load %arg8[%get3A_763, %get3A_764] {strides = array<i32>} : memref<448x128xf32, #tpu.memory_space<vmem>>, vector<1x16xf32>,
          %get3A_766 = vector.shape_cast %get3A_765 : vector<1x16xf32> to vector<16xf32>
          %add3A_767 = arith.addf %add3A_711, %get3A_766 : vector<16xf32>
          %add3A_768 = arith.constant 4 : i32
          %add3A_769 = arith.addi %add3A_502, %add3A_768 : i32
          %get3A_770 = arith.index_cast %add3A_769 : i32 to index
          %get3A_771 = arith.constant 96 : index
          %get3A_772 = tpu.vector_load %arg8[%get3A_770, %get3A_771] {strides = array<i32>} : memref<448x128xf32, #tpu.memory_space<vmem>>, vector<1x16xf32>,
          %get3A_773 = vector.shape_cast %get3A_772 : vector<1x16xf32> to vector<16xf32>
          %add3A_774 = arith.addf %add3A_718, %get3A_773 : vector<16xf32>
          %add3A_775 = arith.constant 4 : i32
          %add3A_776 = arith.addi %add3A_502, %add3A_775 : i32
          %get3A_777 = arith.index_cast %add3A_776 : i32 to index
          %get3A_778 = arith.constant 112 : index
          %get3A_779 = tpu.vector_load %arg8[%get3A_777, %get3A_778] {strides = array<i32>} : memref<448x128xf32, #tpu.memory_space<vmem>>, vector<1x16xf32>,
          %get3A_780 = vector.shape_cast %get3A_779 : vector<1x16xf32> to vector<16xf32>
          %add3A_781 = arith.addf %add3A_725, %get3A_780 : vector<16xf32>
          scf.yield %add3A_732, %add3A_739, %add3A_746, %add3A_753, %add3A_760, %add3A_767, %add3A_774, %add3A_781 : vector<16xf32>, vector<16xf32>, vector<16xf32>, vector<16xf32>, vector<16xf32>, vector<16xf32>, vector<16xf32>, vector<16xf32>
        }
        %scan3A_441 = arith.constant 10 : i32
        %add3A_442 = arith.addi %mul3A_390, %scan3A_420 : i32
        %swap3A = arith.index_cast %add3A_442 : i32 to index
        %swap3A_443 = arith.constant 0 : index
        %swap3A_444 = tpu.vector_load %arg9[%swap3A, %swap3A_443] {strides = array<i32>} : memref<64x128xf32, #tpu.memory_space<vmem>>, vector<1x16xf32>,
        %swap3A_445 = vector.shape_cast %swap3A_444 : vector<1x16xf32> to vector<16xf32>
        %swap3A_446 = vector.shape_cast %scan3A_440#0 : vector<16xf32> to vector<1x16xf32>
        tpu.vector_store %arg9[%swap3A, %swap3A_443], %swap3A_446 {strides = array<i32>} : memref<64x128xf32, #tpu.memory_space<vmem>>, vector<1x16xf32>,
        %add3A_447 = arith.addi %mul3A_390, %scan3A_420 : i32
        %swap3A_448 = arith.index_cast %add3A_447 : i32 to index
        %swap3A_449 = arith.constant 16 : index
        %swap3A_450 = tpu.vector_load %arg9[%swap3A_448, %swap3A_449] {strides = array<i32>} : memref<64x128xf32, #tpu.memory_space<vmem>>, vector<1x16xf32>,
        %swap3A_451 = vector.shape_cast %swap3A_450 : vector<1x16xf32> to vector<16xf32>
        %swap3A_452 = vector.shape_cast %scan3A_440#1 : vector<16xf32> to vector<1x16xf32>
        tpu.vector_store %arg9[%swap3A_448, %swap3A_449], %swap3A_452 {strides = array<i32>} : memref<64x128xf32, #tpu.memory_space<vmem>>, vector<1x16xf32>,
        %add3A_453 = arith.addi %mul3A_390, %scan3A_420 : i32
        %swap3A_454 = arith.index_cast %add3A_453 : i32 to index
        %swap3A_455 = arith.constant 32 : index
        %swap3A_456 = tpu.vector_load %arg9[%swap3A_454, %swap3A_455] {strides = array<i32>} : memref<64x128xf32, #tpu.memory_space<vmem>>, vector<1x16xf32>,
        %swap3A_457 = vector.shape_cast %swap3A_456 : vector<1x16xf32> to vector<16xf32>
        %swap3A_458 = vector.shape_cast %scan3A_440#2 : vector<16xf32> to vector<1x16xf32>
        tpu.vector_store %arg9[%swap3A_454, %swap3A_455], %swap3A_458 {strides = array<i32>} : memref<64x128xf32, #tpu.memory_space<vmem>>, vector<1x16xf32>,
        %add3A_459 = arith.addi %mul3A_390, %scan3A_420 : i32
        %swap3A_460 = arith.index_cast %add3A_459 : i32 to index
        %swap3A_461 = arith.constant 48 : index
        %swap3A_462 = tpu.vector_load %arg9[%swap3A_460, %swap3A_461] {strides = array<i32>} : memref<64x128xf32, #tpu.memory_space<vmem>>, vector<1x16xf32>,
        %swap3A_463 = vector.shape_cast %swap3A_462 : vector<1x16xf32> to vector<16xf32>
        %swap3A_464 = vector.shape_cast %scan3A_440#3 : vector<16xf32> to vector<1x16xf32>
        tpu.vector_store %arg9[%swap3A_460, %swap3A_461], %swap3A_464 {strides = array<i32>} : memref<64x128xf32, #tpu.memory_space<vmem>>, vector<1x16xf32>,
        %add3A_465 = arith.addi %mul3A_390, %scan3A_420 : i32
        %swap3A_466 = arith.index_cast %add3A_465 : i32 to index
        %swap3A_467 = arith.constant 64 : index
        %swap3A_468 = tpu.vector_load %arg9[%swap3A_466, %swap3A_467] {strides = array<i32>} : memref<64x128xf32, #tpu.memory_space<vmem>>, vector<1x16xf32>,
        %swap3A_469 = vector.shape_cast %swap3A_468 : vector<1x16xf32> to vector<16xf32>
        %swap3A_470 = vector.shape_cast %scan3A_440#4 : vector<16xf32> to vector<1x16xf32>
        tpu.vector_store %arg9[%swap3A_466, %swap3A_467], %swap3A_470 {strides = array<i32>} : memref<64x128xf32, #tpu.memory_space<vmem>>, vector<1x16xf32>,
        %add3A_471 = arith.addi %mul3A_390, %scan3A_420 : i32
        %swap3A_472 = arith.index_cast %add3A_471 : i32 to index
        %swap3A_473 = arith.constant 80 : index
        %swap3A_474 = tpu.vector_load %arg9[%swap3A_472, %swap3A_473] {strides = array<i32>} : memref<64x128xf32, #tpu.memory_space<vmem>>, vector<1x16xf32>,
        %swap3A_475 = vector.shape_cast %swap3A_474 : vector<1x16xf32> to vector<16xf32>
        %swap3A_476 = vector.shape_cast %scan3A_440#5 : vector<16xf32> to vector<1x16xf32>
        tpu.vector_store %arg9[%swap3A_472, %swap3A_473], %swap3A_476 {strides = array<i32>} : memref<64x128xf32, #tpu.memory_space<vmem>>, vector<1x16xf32>,
        %add3A_477 = arith.addi %mul3A_390, %scan3A_420 : i32
        %swap3A_478 = arith.index_cast %add3A_477 : i32 to index
        %swap3A_479 = arith.constant 96 : index
        %swap3A_480 = tpu.vector_load %arg9[%swap3A_478, %swap3A_479] {strides = array<i32>} : memref<64x128xf32, #tpu.memory_space<vmem>>, vector<1x16xf32>,
        %swap3A_481 = vector.shape_cast %swap3A_480 : vector<1x16xf32> to vector<16xf32>
        %swap3A_482 = vector.shape_cast %scan3A_440#6 : vector<16xf32> to vector<1x16xf32>
        tpu.vector_store %arg9[%swap3A_478, %swap3A_479], %swap3A_482 {strides = array<i32>} : memref<64x128xf32, #tpu.memory_space<vmem>>, vector<1x16xf32>,
        %add3A_483 = arith.addi %mul3A_390, %scan3A_420 : i32
        %swap3A_484 = arith.index_cast %add3A_483 : i32 to index
        %swap3A_485 = arith.constant 112 : index
        %swap3A_486 = tpu.vector_load %arg9[%swap3A_484, %swap3A_485] {strides = array<i32>} : memref<64x128xf32, #tpu.memory_space<vmem>>, vector<1x16xf32>,
        %swap3A_487 = vector.shape_cast %swap3A_486 : vector<1x16xf32> to vector<16xf32>
        %swap3A_488 = vector.shape_cast %scan3A_440#7 : vector<16xf32> to vector<1x16xf32>
        tpu.vector_store %arg9[%swap3A_484, %swap3A_485], %swap3A_488 {strides = array<i32>} : memref<64x128xf32, #tpu.memory_space<vmem>>, vector<1x16xf32>,
      }
      %scan3A_396 = arith.constant 8 : i32
      %add3A_397 = arith.constant 1 : i32
      %add3A_398 = arith.addi %add3A_262, %add3A_397 : i32
      %jit3A_399 = arith.constant 8 : i32
      %eq3A_400 = arith.constant 0 : i32
      %eq3A_401 = arith.cmpi eq, %jit3A_399, %eq3A_400 : i32
      %jit3A_402 = arith.constant 1 : i32
      %select_n3A_403 = arith.select %eq3A_401, %jit3A_402, %jit3A_399 : i32
      %rem3A_404 = arith.remsi %add3A_398, %select_n3A_403 : i32
      %ne3A_405 = arith.constant 0 : i32
      %ne3A_406 = arith.cmpi ne, %rem3A_404, %ne3A_405 : i32
      %lt3A_407 = arith.constant 0 : i32
      %lt3A_408 = arith.cmpi slt, %rem3A_404, %lt3A_407 : i32
      %lt3A_409 = arith.constant 0 : i32
      %lt3A_410 = arith.cmpi slt, %select_n3A_403, %lt3A_409 : i32
      %ne3A_411 = arith.xori %lt3A_408, %lt3A_410 : i1
      %and3A_412 = arith.andi %ne3A_411, %ne3A_406 : i1
      %add3A_413 = arith.addi %rem3A_404, %select_n3A_403 : i32
      %select_n3A_414 = arith.select %and3A_412, %add3A_413, %rem3A_404 : i32
      %eq3A_415 = arith.constant 0 : i32
      %eq3A_416 = arith.cmpi eq, %select_n3A_414, %eq3A_415 : i32
      %convert_element_type3A_417 = arith.extui %eq3A_416 : i1 to i32
      %cond3A_418 = arith.constant 0 : i32
      %cond3A_419 = arith.cmpi ne, %convert_element_type3A_417, %cond3A_418 : i32
      scf.if %cond3A_419 {
        %jit3A_420 = arith.constant 8 : i32
        %div3A = arith.divsi %add3A_262, %jit3A_420 : i32
        %sign3A = arith.constant 0 : i32
        %sign3A_421 = arith.cmpi sgt, %add3A_262, %sign3A : i32
        %sign3A_422 = arith.extui %sign3A_421 : i1 to i32
        %sign3A_423 = arith.constant 0 : i32
        %sign3A_424 = arith.cmpi slt, %add3A_262, %sign3A_423 : i32
        %sign3A_425 = arith.extui %sign3A_424 : i1 to i32
        %sign3A_426 = arith.subi %sign3A_422, %sign3A_425 : i32
        %sign3A_427 = arith.constant 0 : i32
        %sign3A_428 = arith.cmpi sgt, %jit3A_420, %sign3A_427 : i32
        %sign3A_429 = arith.extui %sign3A_428 : i1 to i32
        %sign3A_430 = arith.constant 0 : i32
        %sign3A_431 = arith.cmpi slt, %jit3A_420, %sign3A_430 : i32
        %sign3A_432 = arith.extui %sign3A_431 : i1 to i32
        %sign3A_433 = arith.subi %sign3A_429, %sign3A_432 : i32
        %ne3A_434 = arith.cmpi ne, %sign3A_426, %sign3A_433 : i32
        %rem3A_435 = arith.remsi %add3A_262, %jit3A_420 : i32
        %ne3A_436 = arith.constant 0 : i32
        %ne3A_437 = arith.cmpi ne, %rem3A_435, %ne3A_436 : i32
        %and3A_438 = arith.andi %ne3A_434, %ne3A_437 : i1
        %sub3A = arith.constant 1 : i32
        %sub3A_439 = arith.subi %div3A, %sub3A : i32
        %select_n3A_440 = arith.select %and3A_438, %sub3A_439, %div3A : i32
        %mul3A_441 = arith.constant 8 : i32
        %mul3A_442 = arith.muli %select_n3A_440, %mul3A_441 : i32
        %mul3A_443 = arith.constant 8 : i32
        %mul3A_444 = arith.muli %mul3A_442, %mul3A_443 : i32
        %add3A_445 = arith.addi %mul3A_2, %mul3A_444 : i32
        "tpu.region"() ({
          %run_scoped3A = tpu.sem_alloc : memref<!tpu.dma_semaphore, #tpu.memory_space<semaphore_mem>>
          %dma_start3A_446 = arith.constant 0 : i32
          %dma_start3A_447 = tpu.memref_slice %arg4[%add3A_445, %dma_start3A_446] : memref<32768x128xf32, #tpu.memory_space<hbm>> -> memref<64x128xf32, #tpu.memory_space<hbm>>
          %dma_start3A_448 = arith.constant 0 : i32
          %dma_start3A_449 = tpu.memref_slice %arg4[%add3A_445, %dma_start3A_448] : memref<32768x128xf32, #tpu.memory_space<hbm>> -> memref<64x128xf32, #tpu.memory_space<hbm>>
          tpu.enqueue_dma source(%arg9 : memref<64x128xf32, #tpu.memory_space<vmem>>) target(%dma_start3A_449 : memref<64x128xf32, #tpu.memory_space<hbm>>) target_semaphore(%run_scoped3A : memref<!tpu.dma_semaphore, #tpu.memory_space<semaphore_mem>>)
          %dma_wait3A_450 = arith.constant 0 : i32
          %dma_wait3A_451 = tpu.memref_slice %arg4[%add3A_445, %dma_wait3A_450] : memref<32768x128xf32, #tpu.memory_space<hbm>> -> memref<64x128xf32, #tpu.memory_space<hbm>>
          %dma_wait3A_452 = arith.constant 0 : i32
          %dma_wait3A_453 = tpu.memref_slice %arg4[%add3A_445, %dma_wait3A_452] : memref<32768x128xf32, #tpu.memory_space<hbm>> -> memref<64x128xf32, #tpu.memory_space<hbm>>
          tpu.wait_dma2 semaphore(%run_scoped3A : memref<!tpu.dma_semaphore, #tpu.memory_space<semaphore_mem>>) src(%arg9 : memref<64x128xf32, #tpu.memory_space<vmem>>) dst(%dma_wait3A_453 : memref<64x128xf32, #tpu.memory_space<hbm>>)
          tpu.yield
        }) : () -> ()
      } else {
      }
    }
    %scan3A_108 = arith.constant 64 : i32
    return
  }
}

module attributes {stable_mosaic.version = 14 : i64} {
  func.func @_proj_body(%arg0: i32, %arg1: i32, %arg2: memref<4000x128xf32, #tpu.memory_space<vmem>>, %arg3: memref<1x128x128xf32, #tpu.memory_space<vmem>>, %arg4: memref<1x128xf32, #tpu.memory_space<vmem>>, %arg5: memref<4000x128xf32, #tpu.memory_space<vmem>>) attributes {dimension_semantics = [#tpu.dimension_semantics<arbitrary>, #tpu.dimension_semantics<arbitrary>], iteration_bounds = array<i64: 125, 2>, scalar_prefetch = 0 : i64, scratch_operands = 0 : i64, tpu.core_type = #tpu.core_type<tc>, window_params = [{transform_indices = @transform_0, window_bounds = array<i64: 4000, 128>}, {transform_indices = @transform_1, window_bounds = array<i64: 1, 128, 128>}, {pipeline_mode = #tpu.pipeline_mode<synchronous>, transform_indices = @transform_2, window_bounds = array<i64: 1, 128>}, {transform_indices = @transform_3, window_bounds = array<i64: 4000, 128>}]} {
    %get3A = arith.constant 0 : index
    %get3A_0 = arith.constant 0 : index
    %get3A_1 = vector.load %arg2[%get3A, %get3A_0] : memref<4000x128xf32, #tpu.memory_space<vmem>>, vector<4000x128xf32>
    %get3A_2 = arith.constant 0 : index
    %get3A_3 = arith.constant 0 : index
    %get3A_4 = arith.constant 0 : index
    %get3A_5 = vector.load %arg3[%get3A_2, %get3A_3, %get3A_4] : memref<1x128x128xf32, #tpu.memory_space<vmem>>, vector<1x128x128xf32>
    %get3A_6 = vector.shape_cast %get3A_5 : vector<1x128x128xf32> to vector<128x128xf32>
    %dot_general3A = arith.constant dense<0.000000e+00> : vector<4000x128xf32>
    %dot_general3A_7 = tpu.matmul %get3A_1, %get3A_6, %dot_general3A {dimension_numbers = #tpu.dot_dimension_numbers<[1], [0], [0], [1], [0, 0, 1, 1], [], []>, transpose_lhs_hint = false} : vector<4000x128xf32>, vector<128x128xf32>, vector<4000x128xf32> -> vector<4000x128xf32>
    %get3A_8 = arith.constant 0 : index
    %get3A_9 = arith.constant 0 : index
    %get3A_10 = vector.load %arg4[%get3A_8, %get3A_9] : memref<1x128xf32, #tpu.memory_space<vmem>>, vector<1x128xf32>
    %add3A = vector.broadcast %get3A_10 : vector<1x128xf32> to vector<4000x128xf32>
    %add3A_11 = arith.addf %dot_general3A_7, %add3A : vector<4000x128xf32>
    %max3A = arith.constant 0.000000e+00 : f32
    %max3A_12 = vector.broadcast %max3A : f32 to vector<4000x128xf32>
    %max3A_13 = arith.maximumf %add3A_11, %max3A_12 : vector<4000x128xf32>
    %swap3A = arith.constant 0 : index
    %swap3A_14 = arith.constant 0 : index
    %swap3A_15 = vector.load %arg5[%swap3A, %swap3A_14] : memref<4000x128xf32, #tpu.memory_space<vmem>>, vector<4000x128xf32>
    tpu.vector_store %arg5[%swap3A, %swap3A_14], %max3A_13 {strides = array<i32>} : memref<4000x128xf32, #tpu.memory_space<vmem>>, vector<4000x128xf32>,
    return
  }
  func.func @transform_0(%arg0: i32, %arg1: i32) -> (i32, i32) {
    %c0_i32 = arith.constant 0 : i32
    %c0_i32_0 = arith.constant 0 : i32
    return %arg0, %c0_i32 : i32, i32
  }
  func.func @transform_1(%arg0: i32, %arg1: i32) -> (i32, i32, i32) {
    %c0_i32 = arith.constant 0 : i32
    %c0_i32_0 = arith.constant 0 : i32
    %c0_i32_1 = arith.constant 0 : i32
    return %arg1, %c0_i32, %c0_i32_0 : i32, i32, i32
  }
  func.func @transform_2(%arg0: i32, %arg1: i32) -> (i32, i32) {
    %c0_i32 = arith.constant 0 : i32
    %c0_i32_0 = arith.constant 0 : i32
    %c0_i32_1 = arith.constant 0 : i32
    return %c0_i32, %c0_i32_0 : i32, i32
  }
  func.func @transform_3(%arg0: i32, %arg1: i32) -> (i32, i32) {
    %mul3A = arith.constant 125 : i32
    %mul3A_0 = arith.muli %arg1, %mul3A : i32
    %add3A = arith.addi %mul3A_0, %arg0 : i32
    %c0_i32 = arith.constant 0 : i32
    %c0_i32_1 = arith.constant 0 : i32
    return %add3A, %c0_i32 : i32, i32
  }
}

module attributes {stable_mosaic.version = 14 : i64} {
  func.func @_mlp_body(%arg0: i32, %arg1: memref<1024x128xf32, #tpu.memory_space<vmem>>, %arg2: memref<1024x128xf32, #tpu.memory_space<vmem>>, %arg3: memref<128x128xf32, #tpu.memory_space<vmem>>, %arg4: memref<128x128xf32, #tpu.memory_space<vmem>>, %arg5: memref<1x128xf32, #tpu.memory_space<vmem>>, %arg6: memref<1x128xf32, #tpu.memory_space<vmem>>, %arg7: memref<1x1xf32, #tpu.memory_space<smem>>, %arg8: memref<1024xf32, #tpu.memory_space<vmem>>) attributes {dimension_semantics = [#tpu.dimension_semantics<arbitrary>], iteration_bounds = array<i64: 16>, scalar_prefetch = 0 : i64, scratch_operands = 0 : i64, tpu.core_type = #tpu.core_type<tc>, window_params = [{transform_indices = @transform_0, window_bounds = array<i64: 1024, 128>}, {transform_indices = @transform_1, window_bounds = array<i64: 1024, 128>}, {pipeline_mode = #tpu.pipeline_mode<synchronous>, transform_indices = @transform_2, window_bounds = array<i64: 128, 128>}, {pipeline_mode = #tpu.pipeline_mode<synchronous>, transform_indices = @transform_3, window_bounds = array<i64: 128, 128>}, {pipeline_mode = #tpu.pipeline_mode<synchronous>, transform_indices = @transform_4, window_bounds = array<i64: 1, 128>}, {pipeline_mode = #tpu.pipeline_mode<synchronous>, transform_indices = @transform_5, window_bounds = array<i64: 1, 128>}, {transform_indices = @transform_6, window_bounds = array<i64: 1, 1>}, {transform_indices = @transform_7, window_bounds = array<i64: 1024>}]} {
    %get3A = arith.constant 0 : index
    %get3A_0 = arith.constant 0 : index
    %get3A_1 = vector.load %arg1[%get3A, %get3A_0] : memref<1024x128xf32, #tpu.memory_space<vmem>>, vector<1024x128xf32>
    %get3A_2 = arith.constant 0 : index
    %get3A_3 = arith.constant 0 : index
    %get3A_4 = vector.load %arg3[%get3A_2, %get3A_3] : memref<128x128xf32, #tpu.memory_space<vmem>>, vector<128x128xf32>
    %dot_general3A = arith.constant dense<0.000000e+00> : vector<1024x128xf32>
    %dot_general3A_5 = tpu.matmul %get3A_1, %get3A_4, %dot_general3A {dimension_numbers = #tpu.dot_dimension_numbers<[1], [0], [0], [1], [0, 0, 1, 1], [], []>, transpose_lhs_hint = false} : vector<1024x128xf32>, vector<128x128xf32>, vector<1024x128xf32> -> vector<1024x128xf32>
    %get3A_6 = arith.constant 0 : index
    %get3A_7 = arith.constant 0 : index
    %get3A_8 = vector.load %arg2[%get3A_6, %get3A_7] : memref<1024x128xf32, #tpu.memory_space<vmem>>, vector<1024x128xf32>
    %get3A_9 = arith.constant 0 : index
    %get3A_10 = arith.constant 0 : index
    %get3A_11 = vector.load %arg4[%get3A_9, %get3A_10] : memref<128x128xf32, #tpu.memory_space<vmem>>, vector<128x128xf32>
    %dot_general3A_12 = arith.constant dense<0.000000e+00> : vector<1024x128xf32>
    %dot_general3A_13 = tpu.matmul %get3A_8, %get3A_11, %dot_general3A_12 {dimension_numbers = #tpu.dot_dimension_numbers<[1], [0], [0], [1], [0, 0, 1, 1], [], []>, transpose_lhs_hint = false} : vector<1024x128xf32>, vector<128x128xf32>, vector<1024x128xf32> -> vector<1024x128xf32>
    %add3A = arith.addf %dot_general3A_5, %dot_general3A_13 : vector<1024x128xf32>
    %get3A_14 = arith.constant 0 : index
    %get3A_15 = arith.constant 0 : index
    %get3A_16 = vector.load %arg5[%get3A_14, %get3A_15] : memref<1x128xf32, #tpu.memory_space<vmem>>, vector<1x128xf32>
    %add3A_17 = vector.broadcast %get3A_16 : vector<1x128xf32> to vector<1024x128xf32>
    %add3A_18 = arith.addf %add3A, %add3A_17 : vector<1024x128xf32>
    %max3A = arith.constant 0.000000e+00 : f32
    %max3A_19 = vector.broadcast %max3A : f32 to vector<1024x128xf32>
    %max3A_20 = arith.maximumf %add3A_18, %max3A_19 : vector<1024x128xf32>
    %get3A_21 = arith.constant 0 : index
    %get3A_22 = arith.constant 0 : index
    %get3A_23 = vector.load %arg6[%get3A_21, %get3A_22] : memref<1x128xf32, #tpu.memory_space<vmem>>, vector<1x128xf32>
    %mul3A = vector.broadcast %get3A_23 : vector<1x128xf32> to vector<1024x128xf32>
    %mul3A_24 = arith.mulf %max3A_20, %mul3A : vector<1024x128xf32>
    %reduce_sum3A = arith.constant dense<0.000000e+00> : vector<1024xf32>
    %reduce_sum3A_25 = vector.multi_reduction <add>, %mul3A_24, %reduce_sum3A [1] : vector<1024x128xf32> to vector<1024xf32>
    %get3A_26 = arith.constant 0 : index
    %get3A_27 = arith.constant 0 : index
    %get3A_28 = memref.load %arg7[%get3A_26, %get3A_27] : memref<1x1xf32, #tpu.memory_space<smem>>
    %add3A_29 = vector.broadcast %get3A_28 : f32 to vector<1024xf32>
    %add3A_30 = arith.addf %reduce_sum3A_25, %add3A_29 : vector<1024xf32>
    %swap3A = arith.constant 0 : index
    %swap3A_31 = vector.load %arg8[%swap3A] : memref<1024xf32, #tpu.memory_space<vmem>>, vector<1024xf32>
    tpu.vector_store %arg8[%swap3A], %add3A_30 {strides = array<i32>} : memref<1024xf32, #tpu.memory_space<vmem>>, vector<1024xf32>,
    return
  }
  func.func @transform_0(%arg0: i32) -> (i32, i32) {
    %c0_i32 = arith.constant 0 : i32
    %c0_i32_0 = arith.constant 0 : i32
    return %arg0, %c0_i32 : i32, i32
  }
  func.func @transform_1(%arg0: i32) -> (i32, i32) {
    %add3A = arith.constant 16 : i32
    %add3A_0 = arith.addi %add3A, %arg0 : i32
    %c0_i32 = arith.constant 0 : i32
    %c0_i32_1 = arith.constant 0 : i32
    return %add3A_0, %c0_i32 : i32, i32
  }
  func.func @transform_2(%arg0: i32) -> (i32, i32) {
    %c0_i32 = arith.constant 0 : i32
    %c0_i32_0 = arith.constant 0 : i32
    %c0_i32_1 = arith.constant 0 : i32
    return %c0_i32, %c0_i32_0 : i32, i32
  }
  func.func @transform_3(%arg0: i32) -> (i32, i32) {
    %c0_i32 = arith.constant 0 : i32
    %c0_i32_0 = arith.constant 0 : i32
    %c0_i32_1 = arith.constant 0 : i32
    return %c0_i32, %c0_i32_0 : i32, i32
  }
  func.func @transform_4(%arg0: i32) -> (i32, i32) {
    %c0_i32 = arith.constant 0 : i32
    %c0_i32_0 = arith.constant 0 : i32
    %c0_i32_1 = arith.constant 0 : i32
    return %c0_i32, %c0_i32_0 : i32, i32
  }
  func.func @transform_5(%arg0: i32) -> (i32, i32) {
    %c0_i32 = arith.constant 0 : i32
    %c0_i32_0 = arith.constant 0 : i32
    %c0_i32_1 = arith.constant 0 : i32
    return %c0_i32, %c0_i32_0 : i32, i32
  }
  func.func @transform_6(%arg0: i32) -> (i32, i32) {
    %c0_i32 = arith.constant 0 : i32
    %c0_i32_0 = arith.constant 0 : i32
    %c0_i32_1 = arith.constant 0 : i32
    return %c0_i32, %c0_i32_0 : i32, i32
  }
  func.func @transform_7(%arg0: i32) -> i32 {
    %c0_i32 = arith.constant 0 : i32
    return %arg0 : i32
  }
}

</mosaic_0001>

<sc_bundles>
// kernel: kernel.5.cloned.1.call-start
scs
__scs_entry_jumppad:
0x0: {  	(pc) =	sbr.rel $0x88, $3  }
0x1: {  	(tag) =	ssettag $0x0;
	lr =	simm.s32 $0x1  }
0x2: {  	[smem:$0x3F98] =	sst lr;
	_ =	strace $0xD0000000  }
0x3: {  	_ = 	snop  }
0x4: {  	_ = 	snop  }
0x5: {  	_ = 	snop  }
0x6: {  	_ = 	snop  }
0x7: {  	_ = 	snop  }
__scs_overlays_trampoline_lowered:
0x8: {  	[smem:$0x3FA7] =	sst s0  }
0x9: {  	[smem:$0x3FA8] =	sst s1  }
0xa: {  	[smem:$0x3FA9] =	sst s2  }
0xb: {  	[smem:$0x3FAA] =	sst s3  }
0xc: {  	[smem:$0x3FAB] =	sst s4  }
0xd: {  	[smem:$0x3FAC] =	sst s5  }
0xe: {  	[smem:$0x3FAD] =	sst s6  }
0xf: {  	[smem:$0x3FAE] =	sst s7  }
0x10: {  	[smem:$0x3FAF] =	sst s8  }
0x11: {  	[smem:$0x3FB0] =	sst s9;
	s0 =	simm.s32 @!p0 $0x0  }
0x12: {  	s1 =	sld [smem:$0x3F96];
	s0 =	simm.s32 @p0 $0x1  }
0x13: {  	[smem:$0x3FB1] =	sst s0;
	s0 =	simm.s32 @!p1 $0x0  }
0x14: {  	s2 =	sld [smem:$0x3F95];
	s0 =	simm.s32 @p1 $0x1  }
0x15: {  	[smem:$0x3FB2] =	sst s0;
	s0 =	simm.s32 @!p2 $0x0  }
0x16: {  	s3 =	sld [smem:$0x3FDB];
	s0 =	simm.s32 @p2 $0x1  }
0x17: {  	s4 =	simm.s32 $0x1BF5;
	[smem:$0x3FB4] =	sst s0  }
0x18: {  	s0 =	sld [smem:$0x3F97];
	_ =	swait.ge [sflag:s4], $0x0  }
0x19: {  	s7 =	sld [smem:$0x3F98]  }
0x1a: {  	s8 =	sadd.s32 $0xFFFFE003, lr  }
0x1b: {  	s9 =	sadd.s32 $0xFFFFFEF7, lr;
	s5 =	simm.s32 $0xFFFFFFFF;
	p2 =	slt.u32 s8, $0xFFFFF086  }
0x1c: {  	p1 =	slt.u32 s9, $0xF7A;
	s5 =	simm.s32 @!p2 $0x0  }
0x1d: {  	s5 =	simm.s32 @p1 $0x1;
	p0 =	seq.s32 s7, s2  }
0x1e: {  	s7 =	smul.u32 @!p0 $0xF7A, s2;
	p2 =	seq.s32 @!p0 s5, $0x0  }
0x1f: {  	s9 =	smul.u32 $0xF7A, s1;
	s8 =	simm.s32 @!p0 $0x1BF5;
	p2 =	por !p2, p0  }
0x20: {  	[sflag:s8] =	ssyncset.s32 @!p0 $0xFFFFF086;
	s6 =	sadd.s32 @!p0 s3, s7;
	s7 =	simm.s32 @!p0 $0x108  }
0x21: {  	s3 =	sadd.s32 s3, s9;
	s6 =	sadd.s32 @!p0 $0x88, s6;
	s7 =	simm.s32 @p2 $0x1082  }
0x22: {  	[simem:s7], [sflag:s8] =	dma.local @!p0 [hbm:s6], $0xF7A  }
0x23: {  	s9 =	sor.u32 $0xD0000000, s2;
	s6 =	simm.s32 $0x108;
	_ =	swait.ge @!p0 [sflag:s8], $0x0  }
0x24: {  	s3 =	sadd.s32 $0x88, s3;
	s6 =	simm.s32 @!p1 $0x1082;
	[sflag:s4] =	ssyncset.s32 $0xFFFFF086  }
0x25: {  	[simem:s6], [sflag:s4] =	dma.local [hbm:s3], $0xF7A  }
0x26: {  	[smem:$0x3F98] =	sst s1;
	(tag) =	ssettag s2;
	_ =	strace s9  }
0x27: {  	s1 =	sld [smem:$0x3FA8]  }
0x28: {  	s2 =	sld [smem:$0x3FA9]  }
0x29: {  	s4 =	sld [smem:$0x3FAB]  }
0x2a: {  	p0 =	seq.s32 s5, $0x0;
	s5 =	sld [smem:$0x3FAC]  }
0x2b: {  	s6 =	sld [smem:$0x3FAD]  }
0x2c: {  	s7 =	sld [smem:$0x3FAE]  }
0x2d: {  	s3 =	simm.s32 $0x108;
	s8 =	sld [smem:$0x3FAF]  }
0x2e: {  	s3 =	simm.s32 @!p0 $0x1082;
	s9 =	sld [smem:$0x3FB0]  }
0x2f: {  	lr =	sadd.s32 s0, s3;
	s0 =	sld [smem:$0x3FA7]  }
0x30: {  	s3 =	sld [smem:$0x3FAA]  }
0x31: {  	[smem:$0x3FB3] =	sst s10  }
0x32: {  	s10 =	sld [smem:$0x3FB1];
	_ =	sdelay $0x3  }
0x33: {  	p0 =	seq.s32 s10, $0x1;
	s10 =	sld [smem:$0x3FB3];
	_ =	sdelay $0x3  }
0x34: {  	[smem:$0x3FB3] =	sst s10  }
0x35: {  	s10 =	sld [smem:$0x3FB2];
	_ =	sdelay $0x3  }
0x36: {  	p1 =	seq.s32 s10, $0x1;
	s10 =	sld [smem:$0x3FB3];
	_ =	sdelay $0x3  }
0x37: {  	[smem:$0x3FB3] =	sst s10  }
0x38: {  	s10 =	sld [smem:$0x3FB4]  }
0x39: {  	_ = 	snop;
	(pc) =	sbr.ind lr, $3  }
0x3a: {  	_ = 	snop  }
0x3b: {  	_ = 	snop  }
0x3c: {  	p2 =	seq.s32 s10, $0x1;
	s10 =	sld [smem:$0x3FB3]  }
0x3d: {  	_ =	shalt  }
0x3e: {  	_ =	shalt  }
0x3f: {  	_ =	shalt  }
0x40: {  	_ =	shalt  }
0x41: {  	_ =	shalt  }
0x42: {  	_ =	shalt  }
0x43: {  	_ =	shalt  }
0x44: {  	_ =	shalt  }
0x45: {  	_ =	shalt  }
0x46: {  	_ =	shalt  }
0x47: {  	_ =	shalt  }
0x48: {  	_ =	shalt  }
0x49: {  	_ =	shalt  }
0x4a: {  	_ =	shalt  }
0x4b: {  	_ =	shalt  }
0x4c: {  	_ =	shalt  }
0x4d: {  	_ =	shalt  }
0x4e: {  	_ =	shalt  }
0x4f: {  	_ =	shalt  }
0x50: {  	_ =	shalt  }
0x51: {  	_ =	shalt  }
0x52: {  	_ =	shalt  }
0x53: {  	_ =	shalt  }
0x54: {  	_ =	shalt  }
0x55: {  	_ =	shalt  }
0x56: {  	_ =	shalt  }
0x57: {  	_ =	shalt  }
0x58: {  	_ =	shalt  }
0x59: {  	_ =	shalt  }
0x5a: {  	_ =	shalt  }
0x5b: {  	_ =	shalt  }
0x5c: {  	_ =	shalt  }
0x5d: {  	_ =	shalt  }
0x5e: {  	_ =	shalt  }
0x5f: {  	_ =	shalt  }
0x60: {  	_ =	shalt  }
0x61: {  	_ =	shalt  }
0x62: {  	_ =	shalt  }
0x63: {  	_ =	shalt  }
0x64: {  	_ =	shalt  }
0x65: {  	_ =	shalt  }
0x66: {  	_ =	shalt  }
0x67: {  	_ =	shalt  }
0x68: {  	_ =	shalt  }
0x69: {  	_ =	shalt  }
0x6a: {  	_ =	shalt  }
0x6b: {  	_ =	shalt  }
0x6c: {  	_ =	shalt  }
0x6d: {  	_ =	shalt  }
0x6e: {  	_ =	shalt  }
0x6f: {  	_ =	shalt  }
0x70: {  	_ =	shalt  }
0x71: {  	_ =	shalt  }
0x72: {  	_ =	shalt  }
0x73: {  	_ =	shalt  }
0x74: {  	_ =	shalt  }
0x75: {  	_ =	shalt  }
0x76: {  	_ =	shalt  }
0x77: {  	_ =	shalt  }
0x78: {  	_ =	shalt  }
0x79: {  	_ =	shalt  }
0x7a: {  	_ =	shalt  }
0x7b: {  	_ =	shalt  }
0x7c: {  	_ =	shalt  }
0x7d: {  	_ =	shalt  }
0x7e: {  	_ =	shalt  }
0x7f: {  	_ =	shalt  }
0x80: {  	_ =	shalt  }
0x81: {  	_ =	shalt  }
0x82: {  	_ =	shalt  }
0x83: {  	_ =	shalt  }
0x84: {  	_ =	shalt  }
0x85: {  	_ =	shalt  }
0x86: {  	_ =	shalt  }
0x87: {  	_ =	shalt  }
.Lfunc_end0:
.L_simem_size_0:
called_computation_lowered:
.L_overlay_start_0:
0x88: {  	s2 =	sld [smem:$0x3FD9]  }
0x89: {  	s3 =	sld [smem:$0x3FFE];
	_ =	sdelay $0x1  }
0x8a: {  	s1 =	srdreg.scid  }
0x8b: {  	s0 =	sand.u32 $0x1, s1  }
0x8c: {  	s16 =	sshll.u32 s0, $0xA;
	s2 =	sadd.s32 s3, s2  }
0x8d: {  	s2 =	sadd.s32 s2, s16  }
0x8e: {  	[smem:$0x3FBF] =	sst s2  }
0x8f: {  	_ = 	snop  }
0x90: {  	(tm) =	ssettm $0x1  }
0x91: {  	s17 =	sld [smem:$0x3FFB];
	_ =	sdelay $0x3  }
0x92: {  	_ =	strace s17  }
0x93: {  	s2 =	sld [smem:$0x3FFC];
	_ =	sdelay $0x3  }
0x94: {  	_ =	strace s2  }
0x95: {  	s2 =	sld [smem:$0x3FFD];
	_ =	sdelay $0x3  }
0x96: {  	_ =	strace s2  }
0x97: {  	_ =	strace $0x8FFFFFFF  }
0x98: {  	s18 =	sld [smem:$0x3FDB];
	_ =	sdelay $0x1  }
0x99: {  	s19 =	simm.s32 $_scs_section_size  }
0x9a: {  	s4 =	simm.s32 $_size__tile_overlayer_lowered;
	s5 =	simm.s32 $_tile_overlayer_lowered  }
0x9b: {  	s22 =	simm.s32 $0x1BFF;
	s21 =	sshll.u32 s5, $0x1;
	s2 =	sadd.s32 s19, s18  }
0x9c: {  	s6 =	simm.s32 $0x0;
	s20 =	sshll.u32 s4, $0x1;
	s4 =	sadd.s32 s21, s2  }
0x9d: {  	[timem:s6], [sflag:s22] =	dma.local [hbm:s4], s20  }
0x9e: {  	_ =	swait.ge [sflag:s22], s20  }
0x9f: {  	s3 =	ssub.s32 $0x0, s20;
	[sflag:s22] =	ssyncset.done $0x0  }
0xa0: {  	[sflag:s22] =	ssyncadd.s32 s3;
	_ =	sdelay $0x1  }
0xa1: {  	s23 =	simm.s32 $0x1B8B  }
0xa2: {  	_ =	swait.ge [sflag:s23], $0x1  }
0xa3: {  	[sflag:s23] =	ssyncset.done $0x0  }
0xa4: {  	s25 =	simm.s32 $0x1B8E;
	s24 =	sld [smem:$0x3FFE];
	[sflag:s23] =	ssyncadd.s32 $0xFFFFFFFF  }
0xa5: {  	s26 =	simm.s32 $execute0_lowered;
	[smem:$0x3FD2] =	sst s25  }
0xa6: {  	s4 =	sshll.u32 s26, $0x1;
	_ =	strace $0x80000046;
	[dreg:$0x1] =	wrdreg $0xFFFFFFFF  }
0xa7: {  	s28 =	simm.s32 $_size_execute0_lowered;
	s2 =	sadd.s32 s2, s4;
	[dreg:$0x0] =	wrdreg $0x0  }
0xa8: {  	s4 =	sshll.u32 s28, $0x1;
	[dreg:$0x2] =	wrdreg s2  }
0xa9: {  	[dreg:$0x3] =	wrdreg s4  }
0xaa: {  	[dreg:$0x4] =	wrdreg $0xC0  }
0xab: {  	_ =	task [dreg:s6], $0x5FFFF  }
0xac: {  	[dreg:$0x1] =	wrdreg $0xFFFFFFFF  }
0xad: {  	[dreg:$0x0] =	wrdreg $0x60  }
0xae: {  	[dreg:$0x2] =	wrdreg s24  }
0xaf: {  	[dreg:$0x3] =	wrdreg $0x9  }
0xb0: {  	_ =	task.clear_ibuf [dreg:s6], $0x4FFFF;
	_ =	strace $0x90000046  }
0xb1: {  	s29 =	simm.s32 $0x9;
	_ =	strace $0x80000048  }
0xb2: {  	_ =	swait.ge [sflag:s29], $0x1  }
0xb3: {  	[sflag:s29] =	ssyncadd.s32 $0xFFFFFFFF  }
0xb4: {  	_ =	strace $0x90000048  }
0xb5: {  	_ =	sfence  }
0xb6: {  	s30 =	sld [smem:$0x0];
	_ =	sdelay $0x2  }
0xb7: {  	s31 =	sshll.u32 s1, $0xD;
	s1 =	sshrl.u32 s1, $0x2  }
0xb8: {  	s3 =	sand.u32 $0x4000, s31;
	s1 =	sadd.s32 s1, s30  }
0xb9: {  	s0 =	sor.u32 s3, s0;
	s1 =	sshll.u32 s1, $0x11  }
0xba: {  	s0 =	sor.u32 s1, s0  }
0xbb: {  	s0 =	sadd.s32 $0x8F2B, s0  }
0xbc: {  	[sflag:s0] =	ssyncadd.remote.s32 $0x1  }
0xbd: {  	_ =	sfence.sel $0xFFFF  }
0xbe: {  	[dreg:$0x0] =	wrdreg $0xFFFFFFFF;
	(pc) =	sbr.abs _section_cstart, $3  }
0xbf: {  	[dreg:$0x1] =	wrdreg $0xFFFFFFFF  }
0xc0: {  	_ =	task.clear_ibuf [dreg:s6], $0x2FFFF;
	_ =	strace $0x9FFFFFFF  }
0xc1: {  	(tm) =	ssettm $0x7FFFFFFF  }
tec
execute0_lowered:
.L_overlay_start_1:
0x0: {  	(tag) =	ssettag $0x1  }
0x1: {  	s0 =	rddreg [dreg:$0x0]  }
0x2: {  	s1 =	srdreg.scid;
	s2 =	stileid.u32  }
0x3: {  	s4 =	simm.s32 $0x0;
	s12 =	simm.s32 $0x32;
	s29 =	simm.s32 $0x400  }
0x4: {  	s30 =	simm.s32 $0x4;
	s13 =	simm.s32 $0x500;
	s14 =	simm.s32 $0x12000  }
0x5: {  	s15 =	simm.s32 $0x580;
	s16 =	simm.s32 $0x13C00;
	s17 =	simm.s32 $0x600  }
0x6: {  	s18 =	simm.s32 $0x15800;
	s19 =	simm.s32 $0x680;
	s20 =	simm.s32 $0x17400  }
0x7: {  	s21 =	simm.s32 $0x700;
	s22 =	simm.s32 $0x19000;
	s23 =	simm.s32 $0x780  }
0x8: {  	s24 =	simm.s32 $0x1AC00;
	s25 =	simm.s32 $0x1;
	s26 =	simm.s32 $0x2  }
0x9: {  	s1 =	sand.u32 $0x1, s1;
	[smem:$0x7FF] =	sst s4;
	s4 =	sadd.s32 $0x16E5800, s0  }
0xa: {  	s2 =	sshll.u32 s2, $0xB;
	s3 =	sshll.u32 s1, $0xA;
	_ =	strace $0x80000047  }
0xb: {  	s1 =	ssub.s32 $0x2, s1;
	s2 =	sor.u32 s3, s2;
	s3 =	sadd.s32 $0x1A00, s0  }
0xc: {  	s7 =	sshrl.u32 s1, $0x1;
	s5 =	sshll.u32 s2, $0x4;
	s6 =	sshrl.u32 s2, $0x3  }
0xd: {  	s1 =	ssub.s32 s1, s7;
	s0 =	sadd.s32 s5, s0;
	s5 =	sadd.s32 s3, s5  }
0xe: {  	s2 =	simm.s32 $0x0;
	s31 =	smax.u32 s1, $0x1;
	[dreg:$0x2] =	wrdreg s5  }
0xf: {  	s8 =	sor.u32 $0x3, s6;
	s28 =	sadd.s32 $0x80, s5;
	[dreg:$0x4] =	wrdreg s31  }
0x10: {  	s1 =	simm.s32 $0x10400;
	s9 =	sadd.s32 $0x81A00, s0;
	[dreg:$0x3] =	wrdreg s28  }
.LBB2_1:
0x11: {  	[dreg:$0x5] =	wrdreg s2  }
0x12: {  	s0 =	simm.s32 $0x0;
	s5 =	rddreg [dreg:$0x2];
	s7 =	simm.s32 $0x5  }
0x13: {  	[tilespmem:s0], [sflag:$0x5] =	stream.linear.gather [hbm4b:s5+s0], $0x400, $0x38;
	[tilespmem:$0x1E800] =	vst v63  }
0x14: {  	_ =	swait.ge [sflag:s7], $0x400  }
0x15: {  	[sflag:s7] =	ssyncset.done $0x0  }
0x16: {  	s10 =	simm.s32 $0x800;
	[sflag:s7] =	ssyncadd.s32 $0xFFFFFC00  }
0x17: {  	[tilespmem:s10], [sflag:$0x1] =	stream.indirect.gather [hbm4b:s4+s12], $0x80, s0, s12, $0xb8;
	[tilespmem:$0x1E800] =	vst v63  }
0x18: {  	s11 =	simm.s32 $0x80;
	s5 =	simm.s32 $0x2400  }
0x19: {  	[tilespmem:s5], [sflag:$0x1] =	stream.indirect.gather [hbm4b:s4+s12], $0x80, s11, s12, $0xb8;
	[tilespmem:$0x1E800] =	vst v63  }
0x1a: {  	s28 =	simm.s32 $0x100;
	s31 =	simm.s32 $0x4000  }
0x1b: {  	[tilespmem:s31], [sflag:$0x1] =	stream.indirect.gather [hbm4b:s4+s12], $0x80, s28, s12, $0xb8;
	[tilespmem:$0x1E800] =	vst v63  }
0x1c: {  	s7 =	simm.s32 $0x5C00;
	s5 =	simm.s32 $0x180  }
0x1d: {  	[tilespmem:s7], [sflag:$0x1] =	stream.indirect.gather [hbm4b:s4+s12], $0x80, s5, s12, $0xb8;
	[tilespmem:$0x1E800] =	vst v63  }
0x1e: {  	s10 =	simm.s32 $0x200;
	s11 =	simm.s32 $0x7800  }
0x1f: {  	[tilespmem:s11], [sflag:$0x1] =	stream.indirect.gather [hbm4b:s4+s12], $0x80, s10, s12, $0xb8;
	[tilespmem:$0x1E800] =	vst v63  }
0x20: {  	s28 =	simm.s32 $0x280;
	s31 =	simm.s32 $0x9400  }
0x21: {  	[tilespmem:s31], [sflag:$0x1] =	stream.indirect.gather [hbm4b:s4+s12], $0x80, s28, s12, $0xb8;
	[tilespmem:$0x1E800] =	vst v63  }
0x22: {  	s7 =	simm.s32 $0x300;
	s10 =	simm.s32 $0xB000  }
0x23: {  	[tilespmem:s10], [sflag:$0x1] =	stream.indirect.gather [hbm4b:s4+s12], $0x80, s7, s12, $0xb8;
	[tilespmem:$0x1E800] =	vst v63  }
0x24: {  	s11 =	simm.s32 $0x380;
	s28 =	simm.s32 $0xCC00  }
0x25: {  	[tilespmem:s28], [sflag:$0x1] =	stream.indirect.gather [hbm4b:s4+s12], $0x80, s11, s12, $0xb8;
	[tilespmem:$0x1E800] =	vst v63  }
0x26: {  	s31 =	rddreg [dreg:$0x3];
	s7 =	simm.s32 $0x0  }
0x27: {  	[tilespmem:s29], [sflag:$0x4] =	stream.linear.gather [hbm4b:s31+s0], $0x400, $0x38;
	[tilespmem:$0x1E800] =	vst v63  }
.LBB2_2:
0x28: {  	_ =	swait.ge [sflag:s30], $0x400  }
0x29: {  	[sflag:s30] =	ssyncset.done $0x0  }
0x2a: {  	s0 =	simm.s32 $0xE800;
	[sflag:s30] =	ssyncadd.s32 $0xFFFFFC00  }
0x2b: {  	[tilespmem:s0], [sflag:$0x2] =	stream.indirect.gather [hbm4b:s4+s12], $0x80, s29, s12, $0xb8;
	[tilespmem:$0x1E800] =	vst v63  }
0x2c: {  	s11 =	simm.s32 $0x480  }
0x2d: {  	[tilespmem:s1], [sflag:$0x2] =	stream.indirect.gather [hbm4b:s4+s12], $0x80, s11, s12, $0xb8;
	[tilespmem:$0x1E800] =	vst v63  }
0x2e: {  	_ = 	snop  }
0x2f: {  	[tilespmem:s14], [sflag:$0x2] =	stream.indirect.gather [hbm4b:s4+s12], $0x80, s13, s12, $0xb8;
	[tilespmem:$0x1E800] =	vst v63  }
0x30: {  	_ = 	snop  }
0x31: {  	[tilespmem:s16], [sflag:$0x2] =	stream.indirect.gather [hbm4b:s4+s12], $0x80, s15, s12, $0xb8;
	[tilespmem:$0x1E800] =	vst v63  }
0x32: {  	_ = 	snop  }
0x33: {  	[tilespmem:s18], [sflag:$0x2] =	stream.indirect.gather [hbm4b:s4+s12], $0x80, s17, s12, $0xb8;
	[tilespmem:$0x1E800] =	vst v63  }
0x34: {  	_ = 	snop  }
0x35: {  	[tilespmem:s20], [sflag:$0x2] =	stream.indirect.gather [hbm4b:s4+s12], $0x80, s19, s12, $0xb8;
	[tilespmem:$0x1E800] =	vst v63  }
0x36: {  	_ = 	snop  }
0x37: {  	[tilespmem:s22], [sflag:$0x2] =	stream.indirect.gather [hbm4b:s4+s12], $0x80, s21, s12, $0xb8;
	[tilespmem:$0x1E800] =	vst v63  }
0x38: {  	_ = 	snop  }
0x39: {  	[tilespmem:s24], [sflag:$0x2] =	stream.indirect.gather [hbm4b:s4+s12], $0x80, s23, s12, $0xb8;
	[tilespmem:$0x1E800] =	vst v63  }
0x3a: {  	_ =	swait.ge [sflag:s25], $0x1900  }
0x3b: {  	[sflag:s25] =	ssyncset.done $0x0  }
0x3c: {  	[sflag:s25] =	ssyncadd.s32 $0xFFFFE700  }
0x3d: {  	_ =	swait.ge [sflag:s25], $0x1900  }
0x3e: {  	[sflag:s25] =	ssyncset.done $0x0  }
0x3f: {  	[sflag:s25] =	ssyncadd.s32 $0xFFFFE700  }
0x40: {  	_ =	swait.ge [sflag:s25], $0x1900  }
0x41: {  	[sflag:s25] =	ssyncset.done $0x0  }
0x42: {  	[sflag:s25] =	ssyncadd.s32 $0xFFFFE700  }
0x43: {  	_ =	swait.ge [sflag:s25], $0x1900  }
0x44: {  	[sflag:s25] =	ssyncset.done $0x0  }
0x45: {  	[sflag:s25] =	ssyncadd.s32 $0xFFFFE700  }
0x46: {  	_ =	swait.ge [sflag:s25], $0x1900  }
0x47: {  	[sflag:s25] =	ssyncset.done $0x0  }
0x48: {  	[sflag:s25] =	ssyncadd.s32 $0xFFFFE700  }
0x49: {  	_ =	swait.ge [sflag:s25], $0x1900  }
0x4a: {  	[sflag:s25] =	ssyncset.done $0x0  }
0x4b: {  	[sflag:s25] =	ssyncadd.s32 $0xFFFFE700  }
0x4c: {  	_ =	swait.ge [sflag:s25], $0x1900  }
0x4d: {  	s2 =	sshll.u32 s7, $0x1;
	[sflag:s25] =	ssyncset.done $0x0  }
0x4e: {  	p0 =	seq.s32 s7, $0x3F;
	s10 =	sadd.s32 $0x2, s2;
	[sflag:s25] =	ssyncadd.s32 $0xFFFFE700  }
0x4f: {  	s0 =	sadd.s32 @!p0 s6, s10;
	_ =	swait.ge [sflag:s25], $0x1900  }
0x50: {  	s31 =	sshll.u32 s7, $0x4;
	s0 =	sshll.u32 @!p0 s0, $0x7;
	[sflag:s25] =	ssyncset.done $0x0  }
0x51: {  	s5 =	simm.s32 @!p0 $0x0;
	s0 =	sadd.s32 @!p0 s3, s0;
	[sflag:s25] =	ssyncadd.s32 $0xFFFFE700  }
0x52: {  	[tilespmem:s5], [sflag:$0x3] =	stream.linear.gather @!p0 [hbm4b:s0+s5], $0x400, $0x38;
	[tilespmem:$0x1E800] =	vst v63  }
0x53: {  	s28 =	simm.s32 $0x940;
	s11 =	simm.s32 $0x0;
	s5 =	sand.u32 $0x30, s31  }
.LBB2_3:
0x54: {  	v2 =	vmov s28;
	_ =	sdelay $0x3  }
0x55: {  	s31 =	simm.s32 $0x0  }
0x56: {  	v5 =	vld.idx.msk [tilespmem:v2+s31+$0xC0 ss:$0x1], $0xffff  }
0x57: {  	v6 =	vld.idx.msk [tilespmem:v2+s31+$0xD0 ss:$0x1], $0xffff  }
0x58: {  	v7 =	vld.idx.msk [tilespmem:v2+s31+$0xE0 ss:$0x1], $0xffff  }
0x59: {  	v8 =	vld.idx.msk [tilespmem:v2+s31+$0xF0 ss:$0x1], $0xffff  }
0x5a: {  	v1 =	vld.idx.msk [tilespmem:v2+s31+$0x100 ss:$0x1], $0xffff  }
0x5b: {  	v0 =	vld.idx.msk [tilespmem:v2+s31+$0x110 ss:$0x1], $0xffff  }
0x5c: {  	v13 =	vld.idx.msk [tilespmem:v2+s31+$0x40 ss:$0x1], $0xffff  }
0x5d: {  	v16 =	vld.idx.msk [tilespmem:v2+s31+$0x50 ss:$0x1], $0xffff  }
0x5e: {  	v11 =	vld.idx.msk [tilespmem:v2+s31+$0x60 ss:$0x1], $0xffff  }
0x5f: {  	v14 =	vld.idx.msk [tilespmem:v2+s31+$0x70 ss:$0x1], $0xffff  }
0x60: {  	v4 =	vld.idx.msk [tilespmem:v2+s31+$0x80 ss:$0x1], $0xffff  }
0x61: {  	v3 =	vld.idx.msk [tilespmem:v2+s31+$0x90 ss:$0x1], $0xffff  }
0x62: {  	v15 =	vld.idx.msk [tilespmem:v2+s31+$0xFFFFFFC0 ss:$0x1], $0xffff  }
0x63: {  	v17 =	vld.idx.msk [tilespmem:v2+s31+$0xFFFFFFD0 ss:$0x1], $0xffff  }
0x64: {  	v21 =	vld.idx.msk [tilespmem:v2+s31+$0xFFFFFFE0 ss:$0x1], $0xffff  }
0x65: {  	v22 =	vld.idx.msk [tilespmem:v2+s31+$0xFFFFFFF0 ss:$0x1], $0xffff  }
0x66: {  	v18 =	vld.idx.msk [tilespmem:v2+s31+$0xFFFFFF40 ss:$0x1], $0xffff  }
0x67: {  	v23 =	vld.idx.msk [tilespmem:v2+s31+$0xFFFFFF50 ss:$0x1], $0xffff  }
0x68: {  	v19 =	vld.idx.msk [tilespmem:v2+s31+$0xFFFFFEC0 ss:$0x1], $0xffff  }
0x69: {  	v20 =	vld.idx.msk [tilespmem:v2+s31+$0xFFFFFED0 ss:$0x1], $0xffff  }
0x6a: {  	v24 =	vld.idx.msk [tilespmem:v2+s31+$0xFFFFFEE0 ss:$0x1], $0xffff  }
0x6b: {  	v25 =	vld.idx.msk [tilespmem:v2+s31+$0xFFFFFEF0 ss:$0x1], $0xffff  }
0x6c: {  	v26 =	vld.idx.msk [tilespmem:v2+s31+$0xFFFFFF60 ss:$0x1], $0xffff  }
0x6d: {  	v27 =	vld.idx.msk [tilespmem:v2+s31+$0xFFFFFF70 ss:$0x1], $0xffff  }
0x6e: {  	v9 =	vimm.f32 $0.0e+00;
	v12 =	vld.idx.msk [tilespmem:v2+s31+$0x0 ss:$0x1], $0xffff  }
0x6f: {  	v10 =	vld.idx.msk [tilespmem:v2+s31+$0x10 ss:$0x1], $0xffff;
	v28 =	vadd.f32 v19, v9;
	v29 =	vadd.f32 v20, v9  }
0x70: {  	v19 =	vld.idx.msk [tilespmem:v2+s31+$0xFFFFFF80 ss:$0x1], $0xffff;
	v24 =	vadd.f32 v24, v9;
	v25 =	vadd.f32 v25, v9  }
0x71: {  	v20 =	vld.idx.msk [tilespmem:v2+s31+$0xFFFFFF90 ss:$0x1], $0xffff;
	v18 =	vadd.f32 v18, v28;
	v29 =	vadd.f32 v23, v29  }
0x72: {  	v23 =	vld.idx.msk [tilespmem:v2+s31+$0xFFFFFF00 ss:$0x1], $0xffff;
	v26 =	vadd.f32 v26, v24;
	v27 =	vadd.f32 v27, v25  }
0x73: {  	v24 =	vld.idx.msk [tilespmem:v2+s31+$0xFFFFFF10 ss:$0x1], $0xffff;
	v28 =	vadd.f32 v15, v18;
	v29 =	vadd.f32 v17, v29  }
0x74: {  	s0 =	simm.s32 $0xA00;
	v25 =	vld.idx.msk [tilespmem:v2+s31+$0xFFFFFF20 ss:$0x1], $0xffff;
	v18 =	vimm.f32 $0.0e+00;
	v17 =	vimm.f32 $0.0e+00;
	v15 =	vimm.f32 $0.0e+00  }
.LBB2_4:
0x75: {  	p1 =	sne.s32 s0, $0x5A00;
	v30 =	vld.idx.msk [tilespmem:v2+s31+$0xFFFFFF30 ss:$0x1], $0xffff;
	v21 =	vadd.f32 v21, v26;
	v22 =	vadd.f32 v22, v27  }
0x76: {  	v26 =	vld.idx.msk [tilespmem:v2+s31+$0xFFFFFFA0 ss:$0x1], $0xffff;
	v13 =	vadd.f32 v13, v28;
	v16 =	vadd.f32 v16, v29  }
0x77: {  	v27 =	vld.idx.msk [tilespmem:v2+s31+$0xFFFFFFB0 ss:$0x1], $0xffff;
	v11 =	vadd.f32 v11, v21;
	v14 =	vadd.f32 v14, v22  }
0x78: {  	v21 =	vld.idx.msk [tilespmem:v2+s31+$0x20 ss:$0x1], $0xffff;
	v28 =	vadd.f32 v5, v13;
	v29 =	vadd.f32 v6, v16  }
0x79: {  	v13 =	vld.idx.msk [tilespmem:v2+s31+$0x30 ss:$0x1], $0xffff;
	v31 =	vadd.f32 v7, v11;
	v32 =	vadd.f32 v8, v14  }
0x7a: {  	v5 =	vadd.f32 v23, v9;
	v6 =	vadd.f32 v24, v18;
	v9 =	vld.idx.msk [tilespmem:v2+s31+$0xA0 ss:$0x1], $0xffff  }
0x7b: {  	v7 =	vadd.f32 v25, v17;
	v8 =	vadd.f32 v30, v15;
	v11 =	vld.idx.msk [tilespmem:v2+s31+$0xB0 ss:$0x1], $0xffff  }
0x7c: {  	v14 =	vadd.f32 v19, v5;
	v6 =	vadd.f32 v20, v6;
	v15 =	vld.idx.msk [tilespmem:v2+s31+$0x120 ss:$0x1], $0xffff  }
0x7d: {  	v7 =	vadd.f32 v26, v7;
	v8 =	vadd.f32 v27, v8;
	v16 =	vld.idx.msk [tilespmem:v2+s31+$0x130 ss:$0x1], $0xffff;
	s31 =	sshra.s32 s0, $0x2  }
0x7e: {  	v12 =	vadd.f32 v12, v14;
	v10 =	vadd.f32 v10, v6;
	v5 =	vld.idx.msk [tilespmem:v2+s31+$0xC0 ss:$0x1], $0xffff  }
0x7f: {  	v14 =	vadd.f32 v21, v7;
	v13 =	vadd.f32 v13, v8;
	v6 =	vld.idx.msk [tilespmem:v2+s31+$0xD0 ss:$0x1], $0xffff  }
0x80: {  	v4 =	vadd.f32 v4, v12;
	v3 =	vadd.f32 v3, v10;
	v7 =	vld.idx.msk [tilespmem:v2+s31+$0xE0 ss:$0x1], $0xffff  }
0x81: {  	v10 =	vadd.f32 v9, v14;
	v11 =	vadd.f32 v11, v13;
	v8 =	vld.idx.msk [tilespmem:v2+s31+$0xF0 ss:$0x1], $0xffff  }
0x82: {  	v9 =	vadd.f32 v1, v4;
	v18 =	vadd.f32 v0, v3;
	v1 =	vld.idx.msk [tilespmem:v2+s31+$0x100 ss:$0x1], $0xffff  }
0x83: {  	v17 =	vadd.f32 v15, v10;
	v15 =	vadd.f32 v16, v11;
	v0 =	vld.idx.msk [tilespmem:v2+s31+$0x110 ss:$0x1], $0xffff  }
0x84: {  	v13 =	vld.idx.msk [tilespmem:v2+s31+$0x40 ss:$0x1], $0xffff  }
0x85: {  	v16 =	vld.idx.msk [tilespmem:v2+s31+$0x50 ss:$0x1], $0xffff  }
0x86: {  	v11 =	vld.idx.msk [tilespmem:v2+s31+$0x60 ss:$0x1], $0xffff  }
0x87: {  	v14 =	vld.idx.msk [tilespmem:v2+s31+$0x70 ss:$0x1], $0xffff  }
0x88: {  	v4 =	vld.idx.msk [tilespmem:v2+s31+$0x80 ss:$0x1], $0xffff  }
0x89: {  	v3 =	vld.idx.msk [tilespmem:v2+s31+$0x90 ss:$0x1], $0xffff  }
0x8a: {  	v30 =	vld.idx.msk [tilespmem:v2+s31+$0xFFFFFFC0 ss:$0x1], $0xffff  }
0x8b: {  	v33 =	vld.idx.msk [tilespmem:v2+s31+$0xFFFFFFD0 ss:$0x1], $0xffff  }
0x8c: {  	v21 =	vld.idx.msk [tilespmem:v2+s31+$0xFFFFFFE0 ss:$0x1], $0xffff  }
0x8d: {  	v22 =	vld.idx.msk [tilespmem:v2+s31+$0xFFFFFFF0 ss:$0x1], $0xffff  }
0x8e: {  	v24 =	vld.idx.msk [tilespmem:v2+s31+$0xFFFFFF40 ss:$0x1], $0xffff  }
0x8f: {  	v25 =	vld.idx.msk [tilespmem:v2+s31+$0xFFFFFF50 ss:$0x1], $0xffff  }
0x90: {  	v19 =	vld.idx.msk [tilespmem:v2+s31+$0xFFFFFEC0 ss:$0x1], $0xffff  }
0x91: {  	v20 =	vld.idx.msk [tilespmem:v2+s31+$0xFFFFFED0 ss:$0x1], $0xffff  }
0x92: {  	v23 =	vld.idx.msk [tilespmem:v2+s31+$0xFFFFFEE0 ss:$0x1], $0xffff  }
0x93: {  	v26 =	vld.idx.msk [tilespmem:v2+s31+$0xFFFFFEF0 ss:$0x1], $0xffff  }
0x94: {  	v27 =	vld.idx.msk [tilespmem:v2+s31+$0xFFFFFF60 ss:$0x1], $0xffff  }
0x95: {  	v34 =	vld.idx.msk [tilespmem:v2+s31+$0xFFFFFF70 ss:$0x1], $0xffff  }
0x96: {  	v12 =	vld.idx.msk [tilespmem:v2+s31+$0x0 ss:$0x1], $0xffff  }
0x97: {  	v10 =	vld.idx.msk [tilespmem:v2+s31+$0x10 ss:$0x1], $0xffff  }
.Ltmp0:
0x98: {  	v28 =	vadd.f32 v19, v28;
	v29 =	vadd.f32 v20, v29;
	v19 =	vld.idx.msk [tilespmem:v2+s31+$0xFFFFFF80 ss:$0x1], $0xffff;
	(pc) =	sbr.rel @p1 .LBB2_4-.Ltmp0, $4  }
0x99: {  	v31 =	vadd.f32 v23, v31;
	v32 =	vadd.f32 v26, v32;
	v20 =	vld.idx.msk [tilespmem:v2+s31+$0xFFFFFF90 ss:$0x1], $0xffff  }
0x9a: {  	v28 =	vadd.f32 v24, v28;
	v29 =	vadd.f32 v25, v29;
	v23 =	vld.idx.msk [tilespmem:v2+s31+$0xFFFFFF00 ss:$0x1], $0xffff  }
0x9b: {  	v26 =	vadd.f32 v27, v31;
	v27 =	vadd.f32 v34, v32;
	v24 =	vld.idx.msk [tilespmem:v2+s31+$0xFFFFFF10 ss:$0x1], $0xffff  }
0x9c: {  	s0 =	sadd.s32 $0xA00, s0;
	v28 =	vadd.f32 v30, v28;
	v29 =	vadd.f32 v33, v29;
	v25 =	vld.idx.msk [tilespmem:v2+s31+$0xFFFFFF20 ss:$0x1], $0xffff  }
0x9d: {  	_ =	sdelay $0x1  }
0x9e: {  	v21 =	vadd.f32 v21, v26;
	v22 =	vadd.f32 v22, v27  }
0x9f: {  	v13 =	vadd.f32 v13, v28;
	v16 =	vadd.f32 v16, v29  }
0xa0: {  	v48 =	vld.idx.msk [tilespmem:v2+s31+$0xFFFFFF30 ss:$0x1], $0xffff;
	v11 =	vadd.f32 v11, v21;
	v14 =	vadd.f32 v14, v22  }
0xa1: {  	v49 =	vld.idx.msk [tilespmem:v2+s31+$0xFFFFFFA0 ss:$0x1], $0xffff;
	v9 =	vadd.f32 v23, v9;
	v5 =	vadd.f32 v5, v13  }
0xa2: {  	v50 =	vld.idx.msk [tilespmem:v2+s31+$0xFFFFFFB0 ss:$0x1], $0xffff;
	v6 =	vadd.f32 v6, v16;
	v53 =	vadd.f32 v24, v18  }
0xa3: {  	v51 =	vld.idx.msk [tilespmem:v2+s31+$0x20 ss:$0x1], $0xffff;
	v7 =	vadd.f32 v7, v11;
	v8 =	vadd.f32 v8, v14  }
0xa4: {  	v52 =	vld.idx.msk [tilespmem:v2+s31+$0x30 ss:$0x1], $0xffff;
	v17 =	vadd.f32 v25, v17;
	v9 =	vadd.f32 v19, v9  }
0xa5: {  	v54 =	vld.idx.msk [tilespmem:v2+s31+$0xA0 ss:$0x1], $0xffff;
	s0 =	sadd.s32 s5, s11;
	v15 =	vadd.f32 v48, v15;
	v14 =	vadd.f32 v20, v53  }
0xa6: {  	v55 =	vld.idx.msk [tilespmem:v2+s31+$0xB0 ss:$0x1], $0xffff;
	s0 =	sshll.u32 s0, $0x7;
	v17 =	vadd.f32 v49, v17;
	v9 =	vadd.f32 v12, v9  }
0xa7: {  	v56 =	vld.idx.msk [tilespmem:v2+s31+$0x120 ss:$0x1], $0xffff;
	s0 =	sand.u32 $0x3FFFFF80, s0;
	v58 =	vadd.f32 v50, v15;
	v10 =	vadd.f32 v10, v14  }
0xa8: {  	v57 =	vld.idx.msk [tilespmem:v2+s31+$0x130 ss:$0x1], $0xffff;
	[tilespmem:s0+$0x1C800] =	vst v5;
	v13 =	vadd.f32 v51, v17;
	v4 =	vadd.f32 v4, v9  }
0xa9: {  	s11 =	sadd.s32 $0x1, s11;
	[tilespmem:s0+$0x1C810] =	vst v6;
	v59 =	vadd.f32 v52, v58;
	v3 =	vadd.f32 v3, v10  }
0xaa: {  	p1 =	sne.s32 s11, $0x8;
	[tilespmem:s0+$0x1C820] =	vst v7;
	v60 =	vadd.f32 v54, v13;
	v1 =	vadd.f32 v1, v4  }
.Ltmp1:
0xab: {  	[tilespmem:s0+$0x1C830] =	vst v8;
	v61 =	vadd.f32 v55, v59;
	v0 =	vadd.f32 v0, v3;
	(pc) =	sbr.rel @p1 .LBB2_3-.Ltmp1, $4  }
0xac: {  	v62 =	vadd.f32 v56, v60;
	[tilespmem:s0+$0x1C840] =	vst v1  }
0xad: {  	v63 =	vadd.f32 v57, v61;
	[tilespmem:s0+$0x1C850] =	vst v0  }
0xae: {  	[tilespmem:s0+$0x1C860] =	vst v62  }
0xaf: {  	s28 =	sadd.s32 $0x1C00, s28;
	[tilespmem:s0+$0x1C870] =	vst v63  }
0xb0: {  	s0 =	simm.s32 @!p0 $0x3  }
0xb1: {  	_ =	swait.ge @!p0 [sflag:s0], $0x400  }
0xb2: {  	s11 =	simm.s32 @!p0 $0x0;
	[sflag:s0] =	ssyncset.done @!p0 $0x0  }
0xb3: {  	s28 =	simm.s32 @!p0 $0x800;
	[sflag:s0] =	ssyncadd.s32 @!p0 $0xFFFFFC00;
	s0 =	simm.s32 @!p0 $0x32  }
0xb4: {  	[tilespmem:s28], [sflag:$0x1] =	stream.indirect.gather @!p0 [hbm4b:s4+s0], $0x80, s11, s0, $0xb8;
	[tilespmem:$0x1E800] =	vst v63  }
0xb5: {  	s31 =	simm.s32 @!p0 $0x2400;
	s28 =	simm.s32 @!p0 $0x80  }
0xb6: {  	[tilespmem:s31], [sflag:$0x1] =	stream.indirect.gather @!p0 [hbm4b:s4+s0], $0x80, s28, s0, $0xb8;
	[tilespmem:$0x1E800] =	vst v63  }
0xb7: {  	s28 =	simm.s32 @!p0 $0x100;
	s31 =	simm.s32 @!p0 $0x4000  }
0xb8: {  	[tilespmem:s31], [sflag:$0x1] =	stream.indirect.gather @!p0 [hbm4b:s4+s0], $0x80, s28, s0, $0xb8;
	[tilespmem:$0x1E800] =	vst v63  }
0xb9: {  	s28 =	simm.s32 @!p0 $0x180;
	s31 =	simm.s32 @!p0 $0x5C00  }
0xba: {  	[tilespmem:s31], [sflag:$0x1] =	stream.indirect.gather @!p0 [hbm4b:s4+s0], $0x80, s28, s0, $0xb8;
	[tilespmem:$0x1E800] =	vst v63  }
0xbb: {  	s28 =	simm.s32 @!p0 $0x200;
	s31 =	simm.s32 @!p0 $0x7800  }
0xbc: {  	[tilespmem:s31], [sflag:$0x1] =	stream.indirect.gather @!p0 [hbm4b:s4+s0], $0x80, s28, s0, $0xb8;
	[tilespmem:$0x1E800] =	vst v63  }
0xbd: {  	s28 =	simm.s32 @!p0 $0x280;
	s31 =	simm.s32 @!p0 $0x9400  }
0xbe: {  	[tilespmem:s31], [sflag:$0x1] =	stream.indirect.gather @!p0 [hbm4b:s4+s0], $0x80, s28, s0, $0xb8;
	[tilespmem:$0x1E800] =	vst v63  }
0xbf: {  	s28 =	simm.s32 @!p0 $0x300;
	s31 =	simm.s32 @!p0 $0xB000  }
0xc0: {  	[tilespmem:s31], [sflag:$0x1] =	stream.indirect.gather @!p0 [hbm4b:s4+s0], $0x80, s28, s0, $0xb8;
	[tilespmem:$0x1E800] =	vst v63  }
0xc1: {  	s28 =	simm.s32 @!p0 $0x380;
	s31 =	simm.s32 @!p0 $0xCC00  }
0xc2: {  	[tilespmem:s31], [sflag:$0x1] =	stream.indirect.gather @!p0 [hbm4b:s4+s0], $0x80, s28, s0, $0xb8;
	[tilespmem:$0x1E800] =	vst v63  }
0xc3: {  	_ =	swait.ge [sflag:s26], $0x1900  }
0xc4: {  	[sflag:s26] =	ssyncset.done $0x0  }
0xc5: {  	[sflag:s26] =	ssyncadd.s32 $0xFFFFE700  }
0xc6: {  	_ =	swait.ge [sflag:s26], $0x1900  }
0xc7: {  	[sflag:s26] =	ssyncset.done $0x0  }
0xc8: {  	[sflag:s26] =	ssyncadd.s32 $0xFFFFE700  }
0xc9: {  	_ =	swait.ge [sflag:s26], $0x1900  }
0xca: {  	[sflag:s26] =	ssyncset.done $0x0  }
0xcb: {  	[sflag:s26] =	ssyncadd.s32 $0xFFFFE700  }
0xcc: {  	_ =	swait.ge [sflag:s26], $0x1900  }
0xcd: {  	[sflag:s26] =	ssyncset.done $0x0  }
0xce: {  	[sflag:s26] =	ssyncadd.s32 $0xFFFFE700  }
0xcf: {  	_ =	swait.ge [sflag:s26], $0x1900  }
0xd0: {  	[sflag:s26] =	ssyncset.done $0x0  }
0xd1: {  	[sflag:s26] =	ssyncadd.s32 $0xFFFFE700  }
0xd2: {  	_ =	swait.ge [sflag:s26], $0x1900  }
0xd3: {  	[sflag:s26] =	ssyncset.done $0x0  }
0xd4: {  	[sflag:s26] =	ssyncadd.s32 $0xFFFFE700  }
0xd5: {  	_ =	swait.ge [sflag:s26], $0x1900  }
0xd6: {  	[sflag:s26] =	ssyncset.done $0x0  }
0xd7: {  	[sflag:s26] =	ssyncadd.s32 $0xFFFFE700  }
0xd8: {  	s0 =	sadd.s32 @!p0 s2, s8;
	_ =	swait.ge [sflag:s26], $0x1900  }
0xd9: {  	s0 =	sshll.u32 @!p0 s0, $0x7;
	[sflag:s26] =	ssyncset.done $0x0  }
0xda: {  	s2 =	simm.s32 @!p0 $0x400;
	s0 =	sadd.s32 @!p0 s3, s0;
	[sflag:s26] =	ssyncadd.s32 $0xFFFFE700  }
0xdb: {  	[tilespmem:s2], [sflag:$0x4] =	stream.linear.gather @!p0 [hbm4b:s0+s11], $0x400, $0x38;
	[tilespmem:$0x1E800] =	vst v63  }
0xdc: {  	s2 =	simm.s32 $0x0;
	s11 =	simm.s32 $0xE940  }
.LBB2_7:
0xdd: {  	v2 =	vmov s11;
	_ =	sdelay $0x3  }
0xde: {  	s28 =	simm.s32 $0x0  }
0xdf: {  	v5 =	vld.idx.msk [tilespmem:v2+s28+$0xC0 ss:$0x1], $0xffff  }
0xe0: {  	v6 =	vld.idx.msk [tilespmem:v2+s28+$0xD0 ss:$0x1], $0xffff  }
0xe1: {  	v7 =	vld.idx.msk [tilespmem:v2+s28+$0xE0 ss:$0x1], $0xffff  }
0xe2: {  	v8 =	vld.idx.msk [tilespmem:v2+s28+$0xF0 ss:$0x1], $0xffff  }
0xe3: {  	v1 =	vld.idx.msk [tilespmem:v2+s28+$0x100 ss:$0x1], $0xffff  }
0xe4: {  	v0 =	vld.idx.msk [tilespmem:v2+s28+$0x110 ss:$0x1], $0xffff  }
0xe5: {  	v13 =	vld.idx.msk [tilespmem:v2+s28+$0x40 ss:$0x1], $0xffff  }
0xe6: {  	v16 =	vld.idx.msk [tilespmem:v2+s28+$0x50 ss:$0x1], $0xffff  }
0xe7: {  	v11 =	vld.idx.msk [tilespmem:v2+s28+$0x60 ss:$0x1], $0xffff  }
0xe8: {  	v14 =	vld.idx.msk [tilespmem:v2+s28+$0x70 ss:$0x1], $0xffff  }
0xe9: {  	v4 =	vld.idx.msk [tilespmem:v2+s28+$0x80 ss:$0x1], $0xffff  }
0xea: {  	v3 =	vld.idx.msk [tilespmem:v2+s28+$0x90 ss:$0x1], $0xffff  }
0xeb: {  	v15 =	vld.idx.msk [tilespmem:v2+s28+$0xFFFFFFC0 ss:$0x1], $0xffff  }
0xec: {  	v17 =	vld.idx.msk [tilespmem:v2+s28+$0xFFFFFFD0 ss:$0x1], $0xffff  }
0xed: {  	v21 =	vld.idx.msk [tilespmem:v2+s28+$0xFFFFFFE0 ss:$0x1], $0xffff  }
0xee: {  	v22 =	vld.idx.msk [tilespmem:v2+s28+$0xFFFFFFF0 ss:$0x1], $0xffff  }
0xef: {  	v18 =	vld.idx.msk [tilespmem:v2+s28+$0xFFFFFF40 ss:$0x1], $0xffff  }
0xf0: {  	v23 =	vld.idx.msk [tilespmem:v2+s28+$0xFFFFFF50 ss:$0x1], $0xffff  }
0xf1: {  	v19 =	vld.idx.msk [tilespmem:v2+s28+$0xFFFFFEC0 ss:$0x1], $0xffff  }
0xf2: {  	v20 =	vld.idx.msk [tilespmem:v2+s28+$0xFFFFFED0 ss:$0x1], $0xffff  }
0xf3: {  	v24 =	vld.idx.msk [tilespmem:v2+s28+$0xFFFFFEE0 ss:$0x1], $0xffff  }
0xf4: {  	v25 =	vld.idx.msk [tilespmem:v2+s28+$0xFFFFFEF0 ss:$0x1], $0xffff  }
0xf5: {  	v26 =	vld.idx.msk [tilespmem:v2+s28+$0xFFFFFF60 ss:$0x1], $0xffff  }
0xf6: {  	v27 =	vld.idx.msk [tilespmem:v2+s28+$0xFFFFFF70 ss:$0x1], $0xffff  }
0xf7: {  	v9 =	vimm.f32 $0.0e+00;
	v12 =	vld.idx.msk [tilespmem:v2+s28+$0x0 ss:$0x1], $0xffff  }
0xf8: {  	v10 =	vld.idx.msk [tilespmem:v2+s28+$0x10 ss:$0x1], $0xffff;
	v28 =	vadd.f32 v19, v9;
	v29 =	vadd.f32 v20, v9  }
0xf9: {  	v19 =	vld.idx.msk [tilespmem:v2+s28+$0xFFFFFF80 ss:$0x1], $0xffff;
	v24 =	vadd.f32 v24, v9;
	v25 =	vadd.f32 v25, v9  }
0xfa: {  	v20 =	vld.idx.msk [tilespmem:v2+s28+$0xFFFFFF90 ss:$0x1], $0xffff;
	v18 =	vadd.f32 v18, v28;
	v29 =	vadd.f32 v23, v29  }
0xfb: {  	v23 =	vld.idx.msk [tilespmem:v2+s28+$0xFFFFFF00 ss:$0x1], $0xffff;
	v26 =	vadd.f32 v26, v24;
	v27 =	vadd.f32 v27, v25  }
0xfc: {  	v24 =	vld.idx.msk [tilespmem:v2+s28+$0xFFFFFF10 ss:$0x1], $0xffff;
	v28 =	vadd.f32 v15, v18;
	v29 =	vadd.f32 v17, v29  }
0xfd: {  	s0 =	simm.s32 $0xA00;
	v25 =	vld.idx.msk [tilespmem:v2+s28+$0xFFFFFF20 ss:$0x1], $0xffff;
	v18 =	vimm.f32 $0.0e+00;
	v17 =	vimm.f32 $0.0e+00;
	v15 =	vimm.f32 $0.0e+00  }
.LBB2_8:
0xfe: {  	p0 =	sne.s32 s0, $0x5A00;
	v30 =	vld.idx.msk [tilespmem:v2+s28+$0xFFFFFF30 ss:$0x1], $0xffff;
	v21 =	vadd.f32 v21, v26;
	v22 =	vadd.f32 v22, v27  }
0xff: {  	v26 =	vld.idx.msk [tilespmem:v2+s28+$0xFFFFFFA0 ss:$0x1], $0xffff;
	v13 =	vadd.f32 v13, v28;
	v16 =	vadd.f32 v16, v29  }
0x100: {  	v27 =	vld.idx.msk [tilespmem:v2+s28+$0xFFFFFFB0 ss:$0x1], $0xffff;
	v11 =	vadd.f32 v11, v21;
	v14 =	vadd.f32 v14, v22  }
0x101: {  	v21 =	vld.idx.msk [tilespmem:v2+s28+$0x20 ss:$0x1], $0xffff;
	v28 =	vadd.f32 v5, v13;
	v29 =	vadd.f32 v6, v16  }
0x102: {  	v13 =	vld.idx.msk [tilespmem:v2+s28+$0x30 ss:$0x1], $0xffff;
	v31 =	vadd.f32 v7, v11;
	v32 =	vadd.f32 v8, v14  }
0x103: {  	v5 =	vadd.f32 v23, v9;
	v6 =	vadd.f32 v24, v18;
	v9 =	vld.idx.msk [tilespmem:v2+s28+$0xA0 ss:$0x1], $0xffff  }
0x104: {  	v7 =	vadd.f32 v25, v17;
	v8 =	vadd.f32 v30, v15;
	v11 =	vld.idx.msk [tilespmem:v2+s28+$0xB0 ss:$0x1], $0xffff  }
0x105: {  	v14 =	vadd.f32 v19, v5;
	v6 =	vadd.f32 v20, v6;
	v15 =	vld.idx.msk [tilespmem:v2+s28+$0x120 ss:$0x1], $0xffff  }
0x106: {  	v7 =	vadd.f32 v26, v7;
	v8 =	vadd.f32 v27, v8;
	v16 =	vld.idx.msk [tilespmem:v2+s28+$0x130 ss:$0x1], $0xffff;
	s28 =	sshra.s32 s0, $0x2  }
0x107: {  	v12 =	vadd.f32 v12, v14;
	v10 =	vadd.f32 v10, v6;
	v5 =	vld.idx.msk [tilespmem:v2+s28+$0xC0 ss:$0x1], $0xffff  }
0x108: {  	v14 =	vadd.f32 v21, v7;
	v13 =	vadd.f32 v13, v8;
	v6 =	vld.idx.msk [tilespmem:v2+s28+$0xD0 ss:$0x1], $0xffff  }
0x109: {  	v4 =	vadd.f32 v4, v12;
	v3 =	vadd.f32 v3, v10;
	v7 =	vld.idx.msk [tilespmem:v2+s28+$0xE0 ss:$0x1], $0xffff  }
0x10a: {  	v10 =	vadd.f32 v9, v14;
	v11 =	vadd.f32 v11, v13;
	v8 =	vld.idx.msk [tilespmem:v2+s28+$0xF0 ss:$0x1], $0xffff  }
0x10b: {  	v9 =	vadd.f32 v1, v4;
	v18 =	vadd.f32 v0, v3;
	v1 =	vld.idx.msk [tilespmem:v2+s28+$0x100 ss:$0x1], $0xffff  }
0x10c: {  	v17 =	vadd.f32 v15, v10;
	v15 =	vadd.f32 v16, v11;
	v0 =	vld.idx.msk [tilespmem:v2+s28+$0x110 ss:$0x1], $0xffff  }
0x10d: {  	v13 =	vld.idx.msk [tilespmem:v2+s28+$0x40 ss:$0x1], $0xffff  }
0x10e: {  	v16 =	vld.idx.msk [tilespmem:v2+s28+$0x50 ss:$0x1], $0xffff  }
0x10f: {  	v11 =	vld.idx.msk [tilespmem:v2+s28+$0x60 ss:$0x1], $0xffff  }
0x110: {  	v14 =	vld.idx.msk [tilespmem:v2+s28+$0x70 ss:$0x1], $0xffff  }
0x111: {  	v4 =	vld.idx.msk [tilespmem:v2+s28+$0x80 ss:$0x1], $0xffff  }
0x112: {  	v3 =	vld.idx.msk [tilespmem:v2+s28+$0x90 ss:$0x1], $0xffff  }
0x113: {  	v30 =	vld.idx.msk [tilespmem:v2+s28+$0xFFFFFFC0 ss:$0x1], $0xffff  }
0x114: {  	v33 =	vld.idx.msk [tilespmem:v2+s28+$0xFFFFFFD0 ss:$0x1], $0xffff  }
0x115: {  	v21 =	vld.idx.msk [tilespmem:v2+s28+$0xFFFFFFE0 ss:$0x1], $0xffff  }
0x116: {  	v22 =	vld.idx.msk [tilespmem:v2+s28+$0xFFFFFFF0 ss:$0x1], $0xffff  }
0x117: {  	v24 =	vld.idx.msk [tilespmem:v2+s28+$0xFFFFFF40 ss:$0x1], $0xffff  }
0x118: {  	v25 =	vld.idx.msk [tilespmem:v2+s28+$0xFFFFFF50 ss:$0x1], $0xffff  }
0x119: {  	v19 =	vld.idx.msk [tilespmem:v2+s28+$0xFFFFFEC0 ss:$0x1], $0xffff  }
0x11a: {  	v20 =	vld.idx.msk [tilespmem:v2+s28+$0xFFFFFED0 ss:$0x1], $0xffff  }
0x11b: {  	v23 =	vld.idx.msk [tilespmem:v2+s28+$0xFFFFFEE0 ss:$0x1], $0xffff  }
0x11c: {  	v26 =	vld.idx.msk [tilespmem:v2+s28+$0xFFFFFEF0 ss:$0x1], $0xffff  }
0x11d: {  	v27 =	vld.idx.msk [tilespmem:v2+s28+$0xFFFFFF60 ss:$0x1], $0xffff  }
0x11e: {  	v34 =	vld.idx.msk [tilespmem:v2+s28+$0xFFFFFF70 ss:$0x1], $0xffff  }
0x11f: {  	v12 =	vld.idx.msk [tilespmem:v2+s28+$0x0 ss:$0x1], $0xffff  }
0x120: {  	v10 =	vld.idx.msk [tilespmem:v2+s28+$0x10 ss:$0x1], $0xffff  }
.Ltmp2:
0x121: {  	v28 =	vadd.f32 v19, v28;
	v29 =	vadd.f32 v20, v29;
	v19 =	vld.idx.msk [tilespmem:v2+s28+$0xFFFFFF80 ss:$0x1], $0xffff;
	(pc) =	sbr.rel @p0 .LBB2_8-.Ltmp2, $4  }
0x122: {  	v31 =	vadd.f32 v23, v31;
	v32 =	vadd.f32 v26, v32;
	v20 =	vld.idx.msk [tilespmem:v2+s28+$0xFFFFFF90 ss:$0x1], $0xffff  }
0x123: {  	v28 =	vadd.f32 v24, v28;
	v29 =	vadd.f32 v25, v29;
	v23 =	vld.idx.msk [tilespmem:v2+s28+$0xFFFFFF00 ss:$0x1], $0xffff  }
0x124: {  	v26 =	vadd.f32 v27, v31;
	v27 =	vadd.f32 v34, v32;
	v24 =	vld.idx.msk [tilespmem:v2+s28+$0xFFFFFF10 ss:$0x1], $0xffff  }
0x125: {  	s0 =	sadd.s32 $0xA00, s0;
	v28 =	vadd.f32 v30, v28;
	v29 =	vadd.f32 v33, v29;
	v25 =	vld.idx.msk [tilespmem:v2+s28+$0xFFFFFF20 ss:$0x1], $0xffff  }
0x126: {  	_ =	sdelay $0x1  }
0x127: {  	v21 =	vadd.f32 v21, v26;
	v22 =	vadd.f32 v22, v27  }
0x128: {  	v13 =	vadd.f32 v13, v28;
	v16 =	vadd.f32 v16, v29  }
0x129: {  	v48 =	vld.idx.msk [tilespmem:v2+s28+$0xFFFFFF30 ss:$0x1], $0xffff;
	v11 =	vadd.f32 v11, v21;
	v14 =	vadd.f32 v14, v22  }
0x12a: {  	v49 =	vld.idx.msk [tilespmem:v2+s28+$0xFFFFFFA0 ss:$0x1], $0xffff;
	v9 =	vadd.f32 v23, v9;
	v5 =	vadd.f32 v5, v13  }
0x12b: {  	v50 =	vld.idx.msk [tilespmem:v2+s28+$0xFFFFFFB0 ss:$0x1], $0xffff;
	v6 =	vadd.f32 v6, v16;
	v53 =	vadd.f32 v24, v18  }
0x12c: {  	v51 =	vld.idx.msk [tilespmem:v2+s28+$0x20 ss:$0x1], $0xffff;
	v7 =	vadd.f32 v7, v11;
	v8 =	vadd.f32 v8, v14  }
0x12d: {  	v52 =	vld.idx.msk [tilespmem:v2+s28+$0x30 ss:$0x1], $0xffff;
	v17 =	vadd.f32 v25, v17;
	v9 =	vadd.f32 v19, v9  }
0x12e: {  	v54 =	vld.idx.msk [tilespmem:v2+s28+$0xA0 ss:$0x1], $0xffff;
	s0 =	sadd.s32 s5, s2;
	v15 =	vadd.f32 v48, v15;
	v14 =	vadd.f32 v20, v53  }
0x12f: {  	v55 =	vld.idx.msk [tilespmem:v2+s28+$0xB0 ss:$0x1], $0xffff;
	s0 =	sshll.u32 s0, $0x7;
	v17 =	vadd.f32 v49, v17;
	v9 =	vadd.f32 v12, v9  }
0x130: {  	v56 =	vld.idx.msk [tilespmem:v2+s28+$0x120 ss:$0x1], $0xffff;
	s0 =	sand.u32 $0x3FFFFF80, s0;
	v58 =	vadd.f32 v50, v15;
	v10 =	vadd.f32 v10, v14  }
0x131: {  	v57 =	vld.idx.msk [tilespmem:v2+s28+$0x130 ss:$0x1], $0xffff;
	[tilespmem:s0+$0x1CC00] =	vst v5;
	v13 =	vadd.f32 v51, v17;
	v4 =	vadd.f32 v4, v9  }
0x132: {  	s2 =	sadd.s32 $0x1, s2;
	[tilespmem:s0+$0x1CC10] =	vst v6;
	v59 =	vadd.f32 v52, v58;
	v3 =	vadd.f32 v3, v10  }
0x133: {  	p0 =	sne.s32 s2, $0x8;
	[tilespmem:s0+$0x1CC20] =	vst v7;
	v60 =	vadd.f32 v54, v13;
	v1 =	vadd.f32 v1, v4  }
.Ltmp3:
0x134: {  	[tilespmem:s0+$0x1CC30] =	vst v8;
	v61 =	vadd.f32 v55, v59;
	v0 =	vadd.f32 v0, v3;
	(pc) =	sbr.rel @p0 .LBB2_7-.Ltmp3, $4  }
0x135: {  	v62 =	vadd.f32 v56, v60;
	[tilespmem:s0+$0x1CC40] =	vst v1  }
0x136: {  	v63 =	vadd.f32 v57, v61;
	[tilespmem:s0+$0x1CC50] =	vst v0  }
0x137: {  	[tilespmem:s0+$0x1CC60] =	vst v62  }
0x138: {  	s11 =	sadd.s32 $0x1C00, s11;
	[tilespmem:s0+$0x1CC70] =	vst v63  }
0x139: {  	s0 =	sand.u32 $0x6, s10  }
0x13a: {  	p0 =	sne.s32 s0, $0x0  }
0x13b: {  	s0 =	sshll.u32 @!p0 s7, $0x8  }
0x13c: {  	s2 =	simm.s32 @!p0 $0x0;
	s7 =	sadd.s32 $0x1, s7;
	s0 =	sand.u32 @!p0 $0x3C00, s0  }
0x13d: {  	s5 =	simm.s32 @!p0 $0x1C800;
	p1 =	sne.s32 s7, $0x40;
	s0 =	sadd.s32 @!p0 s0, s9  }
0x13e: {  	[hbm4b:s0+s2] =	stream.linear.scatter @!p0 [tilespmem:s5], [sflag:$0x5], $0x2000, $0x38;
	[tilespmem:$0x1E800] =	vst v63  }
.Ltmp4:
0x13f: {  	_ = 	snop;
	(pc) =	sbr.rel @p1 .LBB2_2-.Ltmp4, $4  }
0x140: {  	s0 =	simm.s32 @!p0 $0x5  }
0x141: {  	_ =	swait.ge @!p0 [sflag:s0], $0x2000  }
0x142: {  	[sflag:s0] =	ssyncset.done @!p0 $0x0  }
0x143: {  	[sflag:s0] =	ssyncadd.s32 @!p0 $0xFFFFE000  }
0x144: {  	s2 =	rddreg [dreg:$0x5]  }
0x145: {  	s0 =	rddreg [dreg:$0x4];
	s2 =	sadd.s32 $0x1, s2  }
0x146: {  	p0 =	sne.s32 s2, s0  }
.Ltmp5:
0x147: {  	_ = 	snop;
	(pc) =	sbr.rel @p0 .LBB2_1-.Ltmp5, $1  }
0x148: {  	_ =	sdelay $0x3  }
0x149: {  	_ =	sfence.sel $0x180000  }
0x14a: {  	[bflag:$0x0] =	sbarrier.arrive $0xFFFF  }
0x14b: {  	_ =	strace $0x90000047  }
0x14c: {  	s0 =	stileid.u32;
	[bflag:$0x2] =	sbarrier.arrive $0xFFFF  }
0x14d: {  	p0 =	sne.s32 s0, $0x0;
	s0 =	rddreg [dreg:$0x1]  }
0x14e: {  	s0 =	sadd.s32 @!p0 $0x100000, s0  }
0x14f: {  	[sflag:s0] =	ssyncadd.tile.s32 @!p0 $0x1;
	_ =	shalt  }
.Lfunc_end2:
_tile_overlayer_lowered:
.L_overlay_start_2:
0x150: {  	(tag) =	ssettag $0x2  }
0x151: {  	s0 =	rddreg [dreg:$0x0];
	s2 =	stileid.u32  }
0x152: {  	s1 =	rddreg [dreg:$0x1];
	p0 =	sne.s32 s2, $0x0  }
0x153: {  	s3 =	rddreg [dreg:$0x2];
	[bflag:$0x3] =	sbarrier.arrive $0xFFFF;
	s2 =	simm.s32 @!p0 $0x1C05  }
0x154: {  	[timem:s3], [sflag:s2] =	dma.local @!p0 [hbm:s0], s1  }
0x155: {  	s0 =	simm.s32 @!p0 $0x5  }
0x156: {  	_ =	swait.ge @!p0 [sflag:s0], s1  }
0x157: {  	s1 =	ssub.s32 @!p0 $0x0, s1;
	[sflag:s0] =	ssyncset.done @!p0 $0x0  }
0x158: {  	[sflag:s0] =	ssyncadd.s32 @!p0 s1  }
0x159: {  	[bflag:$0x3] =	sbarrier.arrive $0xFFFF  }
0x15a: {  	_ =	shalt  }

</sc_bundles>
